<compile_context>
chip_gen: v7x
topology: tpu7x:2x2x1
jax: 0.10.2.dev20260603
libtpu: 0.0.44.dev20260713+nightly
codegen_flags: <defaults>
</compile_context>

<pallas_src>
import functools

import jax
import jax.numpy as jnp
from jax import lax
from jax.experimental import pallas as pl
from jax.experimental.pallas import tpu as pltpu
from jax.experimental.pallas import tpu_sc as plsc

N = 10000
D = 128
NPAD = 10240
NC = 2
NS = 16
NTILES = NC * NS
CH = 128
NCHUNK = 80
EPT = NCHUNK * CH
E_PAD = NTILES * EPT
ROWS_PT = NPAD // NS
DUMMY = N
BLK = 1024
GRID = NPAD // BLK


@functools.cache
def _sc_kernels():
    mesh = plsc.VectorSubcoreMesh(core_axis_name="c", subcore_axis_name="s",
                                  num_cores=NC, num_subcores=NS)

    @functools.partial(
        pl.kernel,
        out_type=jax.ShapeDtypeStruct((NC, NPAD, D), jnp.float32),
        mesh=mesh,
        scratch_types=[
            pltpu.VMEM((NCHUNK, CH), jnp.int32),
            pltpu.VMEM((CH, D), jnp.float32),
            pltpu.VMEM_SHARED((NPAD, D), jnp.float32),
            pltpu.SemaphoreType.DMA,
        ],
    )
    def _sc_degree(dst_hbm, ones_hbm, zeros_hbm, out_hbm, dst_v, ones_v, acc_sh,
                   sem):
        c = lax.axis_index("c")
        s = lax.axis_index("s")
        t = c * NS + s
        pltpu.sync_copy(dst_hbm.at[t], dst_v)
        pltpu.sync_copy(ones_hbm, ones_v)
        r0 = s * ROWS_PT
        pltpu.sync_copy(zeros_hbm.at[pl.ds(r0, ROWS_PT)], acc_sh.at[pl.ds(r0, ROWS_PT)])
        plsc.subcore_barrier()

        @pl.loop(0, NCHUNK)
        def _(j):
            pltpu.async_copy(ones_v, acc_sh.at[dst_v.at[j]], sem, add=True)

        @pl.loop(0, NCHUNK)
        def _(j):
            pltpu.make_async_copy(ones_v, acc_sh.at[pl.ds(0, CH)], sem).wait()

        plsc.subcore_barrier()
        pltpu.sync_copy(acc_sh.at[pl.ds(r0, ROWS_PT)], out_hbm.at[c, pl.ds(r0, ROWS_PT)])

    @functools.partial(
        pl.kernel,
        out_type=jax.ShapeDtypeStruct((NC, NPAD, D), jnp.float32),
        mesh=mesh,
        scratch_types=[
            pltpu.VMEM((NCHUNK, CH), jnp.int32),
            pltpu.VMEM((NCHUNK, CH), jnp.int32),
            pltpu.VMEM((CH, D), jnp.float32),
            pltpu.VMEM_SHARED((NPAD, D), jnp.float32),
            pltpu.SemaphoreType.DMA,
        ],
    )
    def _sc_aggregate(y_hbm, src_hbm, dst_hbm, zeros_hbm, out_hbm,
                      src_v, dst_v, rows_v, acc_sh, sem):
        c = lax.axis_index("c")
        s = lax.axis_index("s")
        t = c * NS + s
        pltpu.sync_copy(src_hbm.at[t], src_v)
        pltpu.sync_copy(dst_hbm.at[t], dst_v)
        r0 = s * ROWS_PT
        pltpu.sync_copy(zeros_hbm.at[pl.ds(r0, ROWS_PT)], acc_sh.at[pl.ds(r0, ROWS_PT)])
        plsc.subcore_barrier()

        @pl.loop(0, NCHUNK)
        def _(j):
            pltpu.async_copy(y_hbm.at[src_v.at[j]], rows_v, sem).wait()
            pltpu.sync_copy(rows_v, acc_sh.at[dst_v.at[j]], add=True)

        plsc.subcore_barrier()
        pltpu.sync_copy(acc_sh.at[pl.ds(r0, ROWS_PT)], out_hbm.at[c, pl.ds(r0, ROWS_PT)])

    return _sc_degree, _sc_aggregate



def _tc_scale_kernel(x_ref, degp_ref, w_ref, y_ref, dinv_ref):
    p = degp_ref[0] + degp_ref[1]
    deg = p[:, 0:1] + 1.0
    dinv = lax.rsqrt(deg)
    dinvb = jnp.broadcast_to(dinv, (BLK, D))
    xw = jnp.dot(x_ref[...], w_ref[...], precision=lax.Precision.HIGHEST,
                 preferred_element_type=jnp.float32)
    y_ref[...] = dinvb * xw
    dinv_ref[...] = dinvb


def _tc_layer_kernel(sp_ref, y_ref, dinv_ref, b_ref, w_ref, y2_ref):
    agg = sp_ref[0] + sp_ref[1] + y_ref[...]
    h = jnp.maximum(dinv_ref[...] * agg + b_ref[...], 0.0)
    xw = jnp.dot(h, w_ref[...], precision=lax.Precision.HIGHEST,
                 preferred_element_type=jnp.float32)
    y2_ref[...] = dinv_ref[...] * xw


def _tc_pool_kernel(sp_ref, y_ref, dinv_ref, b_ref, out_ref):
    i = pl.program_id(0)
    agg = sp_ref[0] + sp_ref[1] + y_ref[...]
    h = jnp.maximum(dinv_ref[...] * agg + b_ref[...], 0.0)
    row = lax.broadcasted_iota(jnp.int32, (BLK, D), 0) + i * BLK
    h = jnp.where(row < N, h, 0.0)
    part = jnp.sum(h, axis=0, keepdims=True) * (1.0 / N)

    @pl.when(i == 0)
    def _():
        out_ref[...] = jnp.zeros_like(out_ref)

    out_ref[...] += part


_row_spec = pl.BlockSpec((BLK, D), lambda i: (i, 0))
_pair_spec = pl.BlockSpec((NC, BLK, D), lambda i: (0, i, 0))
_w_spec = pl.BlockSpec((D, D), lambda i: (0, 0))
_b_spec = pl.BlockSpec((1, D), lambda i: (0, 0))

_tc_scale = pl.pallas_call(
    _tc_scale_kernel,
    grid=(GRID,),
    in_specs=[_row_spec, _pair_spec, _w_spec],
    out_specs=[_row_spec, _row_spec],
    out_shape=[jax.ShapeDtypeStruct((NPAD, D), jnp.float32),
               jax.ShapeDtypeStruct((NPAD, D), jnp.float32)],
)

_tc_layer = pl.pallas_call(
    _tc_layer_kernel,
    grid=(GRID,),
    in_specs=[_pair_spec, _row_spec, _row_spec, _b_spec, _w_spec],
    out_specs=_row_spec,
    out_shape=jax.ShapeDtypeStruct((NPAD, D), jnp.float32),
)

_tc_pool = pl.pallas_call(
    _tc_pool_kernel,
    grid=(GRID,),
    in_specs=[_pair_spec, _row_spec, _row_spec, _b_spec],
    out_specs=pl.BlockSpec((1, D), lambda i: (0, 0)),
    out_shape=jax.ShapeDtypeStruct((1, D), jnp.float32),
)


def kernel(x, edge_index, W1, b1, W2, b2):
    src = edge_index[0].astype(jnp.int32)
    dst = edge_index[1].astype(jnp.int32)
    npad_e = E_PAD - src.shape[0]
    src_t = jnp.concatenate(
        [src, jnp.zeros((npad_e,), jnp.int32)]).reshape(NTILES, NCHUNK, CH)
    pad_dst = DUMMY + jnp.arange(npad_e, dtype=jnp.int32) % (NPAD - N)
    dst_t = jnp.concatenate([dst, pad_dst]).reshape(NTILES, NCHUNK, CH)

    xp = jnp.pad(x, ((0, NPAD - N), (0, 0)))
    onesD = jnp.ones((CH, D), jnp.float32)
    zerosD = jnp.zeros((NPAD, D), jnp.float32)
    b1r = b1.reshape(1, D)
    b2r = b2.reshape(1, D)

    sc_degree, sc_aggregate = _sc_kernels()
    degp = sc_degree(dst_t, onesD, zerosD)
    y1, dinvb = _tc_scale(xp, degp, W1)
    s1p = sc_aggregate(y1, src_t, dst_t, zerosD)
    y2 = _tc_layer(s1p, y1, dinvb, b1r, W2)
    s2p = sc_aggregate(y2, src_t, dst_t, zerosD)
    return _tc_pool(s2p, y2, dinvb, b2r)

# --- scband reference (transcript-rebuilt; emitter-appended) ---
"""Pipeline reference for scband-graph-encoder-24326694765010 (READ-ONLY COPY).

The authoritative reference and input builder live on the scoring server;
editing this copy changes nothing except your own understanding.
"""

import jax, jax.numpy as jnp
import numpy as np

N_NODES = 10000
HIDDEN = 128
IN_DIM = 128
N_EDGES = 320000


def setup_inputs(seed: int = 0) -> dict:
    key = jax.random.key(seed)
    k1, k2, k3, k4, k5, k6 = jax.random.split(key, 6)
    x = jax.random.normal(k1, (N_NODES, IN_DIM), dtype=jnp.float32)
    edge_index = jax.random.randint(k2, (2, N_EDGES), 0, N_NODES, dtype=jnp.int64)
    s1 = 1.0 / np.sqrt(IN_DIM)
    s2 = 1.0 / np.sqrt(HIDDEN)
    W1 = jax.random.uniform(k3, (IN_DIM, HIDDEN), dtype=jnp.float32, minval=-s1, maxval=s1)
    b1 = jnp.zeros((HIDDEN,), dtype=jnp.float32)
    W2 = jax.random.uniform(k4, (HIDDEN, HIDDEN), dtype=jnp.float32, minval=-s2, maxval=s2)
    b2 = jnp.zeros((HIDDEN,), dtype=jnp.float32)
    return {"x": x, "edge_index": edge_index, "W1": W1, "b1": b1, "W2": W2, "b2": b2}


def _gcn_conv(x, src, dst, W, b, num_nodes):
    # GCNConv: D^{-1/2} (A + I) D^{-1/2} X W + b, degrees from dst (col) after self-loops
    xw = x @ W
    deg = jnp.zeros((num_nodes,), dtype=x.dtype).at[dst].add(1.0)
    deg_inv_sqrt = jnp.where(deg > 0, jax.lax.rsqrt(jnp.maximum(deg, 1e-12)), 0.0)
    norm = deg_inv_sqrt[src] * deg_inv_sqrt[dst]
    msg = xw[src] * norm[:, None]
    out = jax.ops.segment_sum(msg, dst, num_segments=num_nodes)
    return out + b


def reference(x, edge_index, W1, b1, W2, b2):
    num_nodes = x.shape[0]
    loops = jnp.arange(num_nodes, dtype=edge_index.dtype)
    src = jnp.concatenate([edge_index[0], loops])
    dst = jnp.concatenate([edge_index[1], loops])
    h = _gcn_conv(x, src, dst, W1, b1, num_nodes)
    h = jax.nn.relu(h)
    # dropout is identity in eval mode
    h = _gcn_conv(h, src, dst, W2, b2, num_nodes)
    h = jax.nn.relu(h)
    # global_mean_pool over a single graph (batch ids all zero) -> [1, hidden]
    pooled = jnp.mean(h, axis=0, keepdims=True)
    return pooled

if __name__ == "__main__":
    import jax
    _d = setup_inputs()
    print(jax.jit(kernel)(*tuple(_d.values())))

</pallas_src>

<mosaic_0001>
#map = affine_map<(d0, d1) -> (0, 0, 0)>
#map1 = affine_map<(d0, d1) -> (0, 0)>
module attributes {stable_mosaic.version = 14 : i64} {
  func.func @_sc_degree(%arg0: i32, %arg1: i32, %arg2: memref<32x80x128xi32, #tpu.memory_space<hbm>>, %arg3: memref<128x128xf32, #tpu.memory_space<hbm>>, %arg4: memref<10240x128xf32, #tpu.memory_space<hbm>>, %arg5: memref<2x10240x128xf32, #tpu.memory_space<hbm>>, %arg6: memref<80x128xi32, #tpu.memory_space<vmem>>, %arg7: memref<128x128xf32, #tpu.memory_space<vmem>>, %arg8: memref<10240x128xf32, #tpu.memory_space<vmem_shared>>, %arg9: memref<!tpu.dma_semaphore, #tpu.memory_space<semaphore_mem>>) attributes {dimension_semantics = [#tpu.dimension_semantics<core_parallel>, #tpu.dimension_semantics<subcore_parallel>], iteration_bounds = array<i64: 2, 16>, scalar_prefetch = 0 : i64, scratch_operands = 4 : i64, tpu.core_type = #tpu.core_type<sc_vector_subcore>, window_params = [{transform_indices = #map}, {transform_indices = #map1}, {transform_indices = #map1}, {transform_indices = #map}]} {
    %mul3A = arith.constant 16 : i32
    %mul3A_0 = arith.muli %arg0, %mul3A : i32
    %add3A = arith.addi %mul3A_0, %arg1 : i32
    "tpu.region"() ({
      %run_scoped3A = tpu.sem_alloc : memref<!tpu.dma_semaphore, #tpu.memory_space<semaphore_mem>>
      %dma_start3A = arith.constant 0 : i32
      %dma_start3A_13 = arith.constant 0 : i32
      %dma_start3A_14 = tpu.memref_slice %arg2[%add3A, %dma_start3A, %dma_start3A_13] : memref<32x80x128xi32, #tpu.memory_space<hbm>> -> memref<1x80x128xi32, #tpu.memory_space<hbm>>
      %dma_start3A_15 = tpu.memref_squeeze %dma_start3A_14 : memref<1x80x128xi32, #tpu.memory_space<hbm>> -> memref<80x128xi32, #tpu.memory_space<hbm>>
      %dma_start3A_16 = arith.constant 0 : i32
      %dma_start3A_17 = arith.constant 0 : i32
      %dma_start3A_18 = tpu.memref_slice %arg2[%add3A, %dma_start3A_16, %dma_start3A_17] : memref<32x80x128xi32, #tpu.memory_space<hbm>> -> memref<1x80x128xi32, #tpu.memory_space<hbm>>
      %dma_start3A_19 = tpu.memref_squeeze %dma_start3A_18 : memref<1x80x128xi32, #tpu.memory_space<hbm>> -> memref<80x128xi32, #tpu.memory_space<hbm>>
      tpu.enqueue_dma source(%dma_start3A_19 : memref<80x128xi32, #tpu.memory_space<hbm>>) target(%arg6 : memref<80x128xi32, #tpu.memory_space<vmem>>) target_semaphore(%run_scoped3A : memref<!tpu.dma_semaphore, #tpu.memory_space<semaphore_mem>>)
      %dma_wait3A = arith.constant 0 : i32
      %dma_wait3A_20 = arith.constant 0 : i32
      %dma_wait3A_21 = tpu.memref_slice %arg2[%add3A, %dma_wait3A, %dma_wait3A_20] : memref<32x80x128xi32, #tpu.memory_space<hbm>> -> memref<1x80x128xi32, #tpu.memory_space<hbm>>
      %dma_wait3A_22 = tpu.memref_squeeze %dma_wait3A_21 : memref<1x80x128xi32, #tpu.memory_space<hbm>> -> memref<80x128xi32, #tpu.memory_space<hbm>>
      %dma_wait3A_23 = arith.constant 0 : i32
      %dma_wait3A_24 = arith.constant 0 : i32
      %dma_wait3A_25 = tpu.memref_slice %arg2[%add3A, %dma_wait3A_23, %dma_wait3A_24] : memref<32x80x128xi32, #tpu.memory_space<hbm>> -> memref<1x80x128xi32, #tpu.memory_space<hbm>>
      %dma_wait3A_26 = tpu.memref_squeeze %dma_wait3A_25 : memref<1x80x128xi32, #tpu.memory_space<hbm>> -> memref<80x128xi32, #tpu.memory_space<hbm>>
      tpu.wait_dma2 semaphore(%run_scoped3A : memref<!tpu.dma_semaphore, #tpu.memory_space<semaphore_mem>>) src(%dma_wait3A_26 : memref<80x128xi32, #tpu.memory_space<hbm>>) dst(%arg6 : memref<80x128xi32, #tpu.memory_space<vmem>>)
      tpu.yield
    }) : () -> ()
    "tpu.region"() ({
      %run_scoped3A = tpu.sem_alloc : memref<!tpu.dma_semaphore, #tpu.memory_space<semaphore_mem>>
      tpu.enqueue_dma source(%arg3 : memref<128x128xf32, #tpu.memory_space<hbm>>) target(%arg7 : memref<128x128xf32, #tpu.memory_space<vmem>>) target_semaphore(%run_scoped3A : memref<!tpu.dma_semaphore, #tpu.memory_space<semaphore_mem>>)
      tpu.wait_dma2 semaphore(%run_scoped3A : memref<!tpu.dma_semaphore, #tpu.memory_space<semaphore_mem>>) src(%arg3 : memref<128x128xf32, #tpu.memory_space<hbm>>) dst(%arg7 : memref<128x128xf32, #tpu.memory_space<vmem>>)
      tpu.yield
    }) : () -> ()
    %mul3A_1 = arith.constant 640 : i32
    %mul3A_2 = arith.muli %arg1, %mul3A_1 : i32
    "tpu.region"() ({
      %run_scoped3A = tpu.sem_alloc : memref<!tpu.dma_semaphore, #tpu.memory_space<semaphore_mem>>
      %dma_start3A = arith.constant 0 : i32
      %dma_start3A_13 = tpu.memref_slice %arg8[%mul3A_2, %dma_start3A] : memref<10240x128xf32, #tpu.memory_space<vmem_shared>> -> memref<640x128xf32, #tpu.memory_space<vmem_shared>>
      %dma_start3A_14 = arith.constant 0 : i32
      %dma_start3A_15 = tpu.memref_slice %arg4[%mul3A_2, %dma_start3A_14] : memref<10240x128xf32, #tpu.memory_space<hbm>> -> memref<640x128xf32, #tpu.memory_space<hbm>>
      tpu.enqueue_dma source(%dma_start3A_15 : memref<640x128xf32, #tpu.memory_space<hbm>>) target(%dma_start3A_13 : memref<640x128xf32, #tpu.memory_space<vmem_shared>>) target_semaphore(%run_scoped3A : memref<!tpu.dma_semaphore, #tpu.memory_space<semaphore_mem>>)
      %dma_wait3A = arith.constant 0 : i32
      %dma_wait3A_16 = tpu.memref_slice %arg8[%mul3A_2, %dma_wait3A] : memref<10240x128xf32, #tpu.memory_space<vmem_shared>> -> memref<640x128xf32, #tpu.memory_space<vmem_shared>>
      %dma_wait3A_17 = arith.constant 0 : i32
      %dma_wait3A_18 = tpu.memref_slice %arg4[%mul3A_2, %dma_wait3A_17] : memref<10240x128xf32, #tpu.memory_space<hbm>> -> memref<640x128xf32, #tpu.memory_space<hbm>>
      tpu.wait_dma2 semaphore(%run_scoped3A : memref<!tpu.dma_semaphore, #tpu.memory_space<semaphore_mem>>) src(%dma_wait3A_18 : memref<640x128xf32, #tpu.memory_space<hbm>>) dst(%dma_wait3A_16 : memref<640x128xf32, #tpu.memory_space<vmem_shared>>)
      tpu.yield
    }) : () -> ()
    %barrier3A = arith.constant 0 : index
    tpu.barrier barrier_id(%barrier3A)
    %scan3A = arith.constant 0 : i32
    %scan3A_3 = arith.constant 80 : i32
    %scan3A_4 = arith.addi %scan3A, %scan3A_3 : i32
    %scan3A_5 = arith.constant 1 : i32
    scf.for %scan3A_13 = %scan3A to %scan3A_4 step %scan3A_5  : i32 {
      %mul3A_14 = arith.constant 1 : i32
      %mul3A_15 = arith.muli %scan3A_13, %mul3A_14 : i32
      %add3A_16 = arith.constant 0 : i32
      %add3A_17 = arith.addi %add3A_16, %mul3A_15 : i32
      %dma_start3A = arith.constant 0 : i32
      %dma_start3A_18 = tpu.memref_slice %arg6[%add3A_17, %dma_start3A] : memref<80x128xi32, #tpu.memory_space<vmem>> -> memref<1x128xi32, #tpu.memory_space<vmem>>
      %dma_start3A_19 = tpu.memref_squeeze %dma_start3A_18 : memref<1x128xi32, #tpu.memory_space<vmem>> -> memref<128xi32, #tpu.memory_space<vmem>>
      %dma_start3A_20 = arith.constant 0 : i32
      %dma_start3A_21 = arith.constant 0 : i32
      %dma_start3A_22 = tpu.memref_slice %arg8[%dma_start3A_20, %dma_start3A_21] : memref<10240x128xf32, #tpu.memory_space<vmem_shared>> -> memref<10240x128xf32, #tpu.memory_space<vmem_shared>>
      tpu.enqueue_indirect_dma source(%arg7 : memref<128x128xf32, #tpu.memory_space<vmem>>) target(%dma_start3A_22 : memref<10240x128xf32, #tpu.memory_space<vmem_shared>>) offsets(%dma_start3A_19 : memref<128xi32, #tpu.memory_space<vmem>>) semaphore(%arg9 : memref<!tpu.dma_semaphore, #tpu.memory_space<semaphore_mem>>) {add = true}
    }
    %scan3A_6 = arith.constant 80 : i32
    %scan3A_7 = arith.constant 0 : i32
    %scan3A_8 = arith.constant 80 : i32
    %scan3A_9 = arith.addi %scan3A_7, %scan3A_8 : i32
    %scan3A_10 = arith.constant 1 : i32
    scf.for %scan3A_13 = %scan3A_7 to %scan3A_9 step %scan3A_10  : i32 {
      %mul3A_14 = arith.constant 1 : i32
      %mul3A_15 = arith.muli %scan3A_13, %mul3A_14 : i32
      %add3A_16 = arith.constant 0 : i32
      %add3A_17 = arith.addi %add3A_16, %mul3A_15 : i32
      %dma_wait3A = arith.constant 0 : i32
      %dma_wait3A_18 = arith.constant 0 : i32
      %dma_wait3A_19 = tpu.memref_slice %arg8[%dma_wait3A, %dma_wait3A_18] : memref<10240x128xf32, #tpu.memory_space<vmem_shared>> -> memref<128x128xf32, #tpu.memory_space<vmem_shared>>
      %dma_wait3A_20 = arith.constant 0 : i32
      %dma_wait3A_21 = arith.constant 0 : i32
      %dma_wait3A_22 = tpu.memref_slice %arg8[%dma_wait3A_20, %dma_wait3A_21] : memref<10240x128xf32, #tpu.memory_space<vmem_shared>> -> memref<128x128xf32, #tpu.memory_space<vmem_shared>>
      tpu.wait_dma2 semaphore(%arg9 : memref<!tpu.dma_semaphore, #tpu.memory_space<semaphore_mem>>) src(%arg7 : memref<128x128xf32, #tpu.memory_space<vmem>>) dst(%dma_wait3A_22 : memref<128x128xf32, #tpu.memory_space<vmem_shared>>)
    }
    %scan3A_11 = arith.constant 80 : i32
    %barrier3A_12 = arith.constant 0 : index
    tpu.barrier barrier_id(%barrier3A_12)
    "tpu.region"() ({
      %run_scoped3A = tpu.sem_alloc : memref<!tpu.dma_semaphore, #tpu.memory_space<semaphore_mem>>
      %dma_start3A = arith.constant 0 : i32
      %dma_start3A_13 = tpu.memref_slice %arg5[%arg0, %mul3A_2, %dma_start3A] : memref<2x10240x128xf32, #tpu.memory_space<hbm>> -> memref<1x640x128xf32, #tpu.memory_space<hbm>>
      %dma_start3A_14 = tpu.memref_squeeze %dma_start3A_13 : memref<1x640x128xf32, #tpu.memory_space<hbm>> -> memref<640x128xf32, #tpu.memory_space<hbm>>
      %dma_start3A_15 = arith.constant 0 : i32
      %dma_start3A_16 = tpu.memref_slice %arg8[%mul3A_2, %dma_start3A_15] : memref<10240x128xf32, #tpu.memory_space<vmem_shared>> -> memref<640x128xf32, #tpu.memory_space<vmem_shared>>
      tpu.enqueue_dma source(%dma_start3A_16 : memref<640x128xf32, #tpu.memory_space<vmem_shared>>) target(%dma_start3A_14 : memref<640x128xf32, #tpu.memory_space<hbm>>) target_semaphore(%run_scoped3A : memref<!tpu.dma_semaphore, #tpu.memory_space<semaphore_mem>>)
      %dma_wait3A = arith.constant 0 : i32
      %dma_wait3A_17 = tpu.memref_slice %arg5[%arg0, %mul3A_2, %dma_wait3A] : memref<2x10240x128xf32, #tpu.memory_space<hbm>> -> memref<1x640x128xf32, #tpu.memory_space<hbm>>
      %dma_wait3A_18 = tpu.memref_squeeze %dma_wait3A_17 : memref<1x640x128xf32, #tpu.memory_space<hbm>> -> memref<640x128xf32, #tpu.memory_space<hbm>>
      %dma_wait3A_19 = arith.constant 0 : i32
      %dma_wait3A_20 = tpu.memref_slice %arg8[%mul3A_2, %dma_wait3A_19] : memref<10240x128xf32, #tpu.memory_space<vmem_shared>> -> memref<640x128xf32, #tpu.memory_space<vmem_shared>>
      tpu.wait_dma2 semaphore(%run_scoped3A : memref<!tpu.dma_semaphore, #tpu.memory_space<semaphore_mem>>) src(%dma_wait3A_20 : memref<640x128xf32, #tpu.memory_space<vmem_shared>>) dst(%dma_wait3A_18 : memref<640x128xf32, #tpu.memory_space<hbm>>)
      tpu.yield
    }) : () -> ()
    return
  }
}

#map = affine_map<(d0, d1) -> (0, 0)>
#map1 = affine_map<(d0, d1) -> (0, 0, 0)>
module attributes {stable_mosaic.version = 14 : i64} {
  func.func @_sc_aggregate(%arg0: i32, %arg1: i32, %arg2: memref<10240x128xf32, #tpu.memory_space<hbm>>, %arg3: memref<32x80x128xi32, #tpu.memory_space<hbm>>, %arg4: memref<32x80x128xi32, #tpu.memory_space<hbm>>, %arg5: memref<10240x128xf32, #tpu.memory_space<hbm>>, %arg6: memref<2x10240x128xf32, #tpu.memory_space<hbm>>, %arg7: memref<80x128xi32, #tpu.memory_space<vmem>>, %arg8: memref<80x128xi32, #tpu.memory_space<vmem>>, %arg9: memref<128x128xf32, #tpu.memory_space<vmem>>, %arg10: memref<10240x128xf32, #tpu.memory_space<vmem_shared>>, %arg11: memref<!tpu.dma_semaphore, #tpu.memory_space<semaphore_mem>>) attributes {dimension_semantics = [#tpu.dimension_semantics<core_parallel>, #tpu.dimension_semantics<subcore_parallel>], iteration_bounds = array<i64: 2, 16>, scalar_prefetch = 0 : i64, scratch_operands = 5 : i64, tpu.core_type = #tpu.core_type<sc_vector_subcore>, window_params = [{transform_indices = #map}, {transform_indices = #map1}, {transform_indices = #map1}, {transform_indices = #map}, {transform_indices = #map1}]} {
    %mul3A = arith.constant 16 : i32
    %mul3A_0 = arith.muli %arg0, %mul3A : i32
    %add3A = arith.addi %mul3A_0, %arg1 : i32
    "tpu.region"() ({
      %run_scoped3A = tpu.sem_alloc : memref<!tpu.dma_semaphore, #tpu.memory_space<semaphore_mem>>
      %dma_start3A = arith.constant 0 : i32
      %dma_start3A_8 = arith.constant 0 : i32
      %dma_start3A_9 = tpu.memref_slice %arg3[%add3A, %dma_start3A, %dma_start3A_8] : memref<32x80x128xi32, #tpu.memory_space<hbm>> -> memref<1x80x128xi32, #tpu.memory_space<hbm>>
      %dma_start3A_10 = tpu.memref_squeeze %dma_start3A_9 : memref<1x80x128xi32, #tpu.memory_space<hbm>> -> memref<80x128xi32, #tpu.memory_space<hbm>>
      %dma_start3A_11 = arith.constant 0 : i32
      %dma_start3A_12 = arith.constant 0 : i32
      %dma_start3A_13 = tpu.memref_slice %arg3[%add3A, %dma_start3A_11, %dma_start3A_12] : memref<32x80x128xi32, #tpu.memory_space<hbm>> -> memref<1x80x128xi32, #tpu.memory_space<hbm>>
      %dma_start3A_14 = tpu.memref_squeeze %dma_start3A_13 : memref<1x80x128xi32, #tpu.memory_space<hbm>> -> memref<80x128xi32, #tpu.memory_space<hbm>>
      tpu.enqueue_dma source(%dma_start3A_14 : memref<80x128xi32, #tpu.memory_space<hbm>>) target(%arg7 : memref<80x128xi32, #tpu.memory_space<vmem>>) target_semaphore(%run_scoped3A : memref<!tpu.dma_semaphore, #tpu.memory_space<semaphore_mem>>)
      %dma_wait3A = arith.constant 0 : i32
      %dma_wait3A_15 = arith.constant 0 : i32
      %dma_wait3A_16 = tpu.memref_slice %arg3[%add3A, %dma_wait3A, %dma_wait3A_15] : memref<32x80x128xi32, #tpu.memory_space<hbm>> -> memref<1x80x128xi32, #tpu.memory_space<hbm>>
      %dma_wait3A_17 = tpu.memref_squeeze %dma_wait3A_16 : memref<1x80x128xi32, #tpu.memory_space<hbm>> -> memref<80x128xi32, #tpu.memory_space<hbm>>
      %dma_wait3A_18 = arith.constant 0 : i32
      %dma_wait3A_19 = arith.constant 0 : i32
      %dma_wait3A_20 = tpu.memref_slice %arg3[%add3A, %dma_wait3A_18, %dma_wait3A_19] : memref<32x80x128xi32, #tpu.memory_space<hbm>> -> memref<1x80x128xi32, #tpu.memory_space<hbm>>
      %dma_wait3A_21 = tpu.memref_squeeze %dma_wait3A_20 : memref<1x80x128xi32, #tpu.memory_space<hbm>> -> memref<80x128xi32, #tpu.memory_space<hbm>>
      tpu.wait_dma2 semaphore(%run_scoped3A : memref<!tpu.dma_semaphore, #tpu.memory_space<semaphore_mem>>) src(%dma_wait3A_21 : memref<80x128xi32, #tpu.memory_space<hbm>>) dst(%arg7 : memref<80x128xi32, #tpu.memory_space<vmem>>)
      tpu.yield
    }) : () -> ()
    "tpu.region"() ({
      %run_scoped3A = tpu.sem_alloc : memref<!tpu.dma_semaphore, #tpu.memory_space<semaphore_mem>>
      %dma_start3A = arith.constant 0 : i32
      %dma_start3A_8 = arith.constant 0 : i32
      %dma_start3A_9 = tpu.memref_slice %arg4[%add3A, %dma_start3A, %dma_start3A_8] : memref<32x80x128xi32, #tpu.memory_space<hbm>> -> memref<1x80x128xi32, #tpu.memory_space<hbm>>
      %dma_start3A_10 = tpu.memref_squeeze %dma_start3A_9 : memref<1x80x128xi32, #tpu.memory_space<hbm>> -> memref<80x128xi32, #tpu.memory_space<hbm>>
      %dma_start3A_11 = arith.constant 0 : i32
      %dma_start3A_12 = arith.constant 0 : i32
      %dma_start3A_13 = tpu.memref_slice %arg4[%add3A, %dma_start3A_11, %dma_start3A_12] : memref<32x80x128xi32, #tpu.memory_space<hbm>> -> memref<1x80x128xi32, #tpu.memory_space<hbm>>
      %dma_start3A_14 = tpu.memref_squeeze %dma_start3A_13 : memref<1x80x128xi32, #tpu.memory_space<hbm>> -> memref<80x128xi32, #tpu.memory_space<hbm>>
      tpu.enqueue_dma source(%dma_start3A_14 : memref<80x128xi32, #tpu.memory_space<hbm>>) target(%arg8 : memref<80x128xi32, #tpu.memory_space<vmem>>) target_semaphore(%run_scoped3A : memref<!tpu.dma_semaphore, #tpu.memory_space<semaphore_mem>>)
      %dma_wait3A = arith.constant 0 : i32
      %dma_wait3A_15 = arith.constant 0 : i32
      %dma_wait3A_16 = tpu.memref_slice %arg4[%add3A, %dma_wait3A, %dma_wait3A_15] : memref<32x80x128xi32, #tpu.memory_space<hbm>> -> memref<1x80x128xi32, #tpu.memory_space<hbm>>
      %dma_wait3A_17 = tpu.memref_squeeze %dma_wait3A_16 : memref<1x80x128xi32, #tpu.memory_space<hbm>> -> memref<80x128xi32, #tpu.memory_space<hbm>>
      %dma_wait3A_18 = arith.constant 0 : i32
      %dma_wait3A_19 = arith.constant 0 : i32
      %dma_wait3A_20 = tpu.memref_slice %arg4[%add3A, %dma_wait3A_18, %dma_wait3A_19] : memref<32x80x128xi32, #tpu.memory_space<hbm>> -> memref<1x80x128xi32, #tpu.memory_space<hbm>>
      %dma_wait3A_21 = tpu.memref_squeeze %dma_wait3A_20 : memref<1x80x128xi32, #tpu.memory_space<hbm>> -> memref<80x128xi32, #tpu.memory_space<hbm>>
      tpu.wait_dma2 semaphore(%run_scoped3A : memref<!tpu.dma_semaphore, #tpu.memory_space<semaphore_mem>>) src(%dma_wait3A_21 : memref<80x128xi32, #tpu.memory_space<hbm>>) dst(%arg8 : memref<80x128xi32, #tpu.memory_space<vmem>>)
      tpu.yield
    }) : () -> ()
    %mul3A_1 = arith.constant 640 : i32
    %mul3A_2 = arith.muli %arg1, %mul3A_1 : i32
    "tpu.region"() ({
      %run_scoped3A = tpu.sem_alloc : memref<!tpu.dma_semaphore, #tpu.memory_space<semaphore_mem>>
      %dma_start3A = arith.constant 0 : i32
      %dma_start3A_8 = tpu.memref_slice %arg10[%mul3A_2, %dma_start3A] : memref<10240x128xf32, #tpu.memory_space<vmem_shared>> -> memref<640x128xf32, #tpu.memory_space<vmem_shared>>
      %dma_start3A_9 = arith.constant 0 : i32
      %dma_start3A_10 = tpu.memref_slice %arg5[%mul3A_2, %dma_start3A_9] : memref<10240x128xf32, #tpu.memory_space<hbm>> -> memref<640x128xf32, #tpu.memory_space<hbm>>
      tpu.enqueue_dma source(%dma_start3A_10 : memref<640x128xf32, #tpu.memory_space<hbm>>) target(%dma_start3A_8 : memref<640x128xf32, #tpu.memory_space<vmem_shared>>) target_semaphore(%run_scoped3A : memref<!tpu.dma_semaphore, #tpu.memory_space<semaphore_mem>>)
      %dma_wait3A = arith.constant 0 : i32
      %dma_wait3A_11 = tpu.memref_slice %arg10[%mul3A_2, %dma_wait3A] : memref<10240x128xf32, #tpu.memory_space<vmem_shared>> -> memref<640x128xf32, #tpu.memory_space<vmem_shared>>
      %dma_wait3A_12 = arith.constant 0 : i32
      %dma_wait3A_13 = tpu.memref_slice %arg5[%mul3A_2, %dma_wait3A_12] : memref<10240x128xf32, #tpu.memory_space<hbm>> -> memref<640x128xf32, #tpu.memory_space<hbm>>
      tpu.wait_dma2 semaphore(%run_scoped3A : memref<!tpu.dma_semaphore, #tpu.memory_space<semaphore_mem>>) src(%dma_wait3A_13 : memref<640x128xf32, #tpu.memory_space<hbm>>) dst(%dma_wait3A_11 : memref<640x128xf32, #tpu.memory_space<vmem_shared>>)
      tpu.yield
    }) : () -> ()
    %barrier3A = arith.constant 0 : index
    tpu.barrier barrier_id(%barrier3A)
    %scan3A = arith.constant 0 : i32
    %scan3A_3 = arith.constant 80 : i32
    %scan3A_4 = arith.addi %scan3A, %scan3A_3 : i32
    %scan3A_5 = arith.constant 1 : i32
    scf.for %scan3A_8 = %scan3A to %scan3A_4 step %scan3A_5  : i32 {
      %mul3A_9 = arith.constant 1 : i32
      %mul3A_10 = arith.muli %scan3A_8, %mul3A_9 : i32
      %add3A_11 = arith.constant 0 : i32
      %add3A_12 = arith.addi %add3A_11, %mul3A_10 : i32
      %dma_start3A = arith.constant 0 : i32
      %dma_start3A_13 = tpu.memref_slice %arg7[%add3A_12, %dma_start3A] : memref<80x128xi32, #tpu.memory_space<vmem>> -> memref<1x128xi32, #tpu.memory_space<vmem>>
      %dma_start3A_14 = tpu.memref_squeeze %dma_start3A_13 : memref<1x128xi32, #tpu.memory_space<vmem>> -> memref<128xi32, #tpu.memory_space<vmem>>
      %dma_start3A_15 = arith.constant 0 : i32
      %dma_start3A_16 = arith.constant 0 : i32
      %dma_start3A_17 = tpu.memref_slice %arg2[%dma_start3A_15, %dma_start3A_16] : memref<10240x128xf32, #tpu.memory_space<hbm>> -> memref<10240x128xf32, #tpu.memory_space<hbm>>
      tpu.enqueue_indirect_dma source(%dma_start3A_17 : memref<10240x128xf32, #tpu.memory_space<hbm>>) target(%arg9 : memref<128x128xf32, #tpu.memory_space<vmem>>) offsets(%dma_start3A_14 : memref<128xi32, #tpu.memory_space<vmem>>) semaphore(%arg11 : memref<!tpu.dma_semaphore, #tpu.memory_space<semaphore_mem>>)
      %dma_wait3A = arith.constant 0 : i32
      %dma_wait3A_18 = tpu.memref_slice %arg7[%add3A_12, %dma_wait3A] : memref<80x128xi32, #tpu.memory_space<vmem>> -> memref<1x128xi32, #tpu.memory_space<vmem>>
      %dma_wait3A_19 = tpu.memref_squeeze %dma_wait3A_18 : memref<1x128xi32, #tpu.memory_space<vmem>> -> memref<128xi32, #tpu.memory_space<vmem>>
      %dma_wait3A_20 = arith.constant 0 : i32
      %dma_wait3A_21 = arith.constant 0 : i32
      %dma_wait3A_22 = tpu.memref_slice %arg2[%dma_wait3A_20, %dma_wait3A_21] : memref<10240x128xf32, #tpu.memory_space<hbm>> -> memref<10240x128xf32, #tpu.memory_space<hbm>>
      tpu.wait_indirect_dma semaphore(%arg11 : memref<!tpu.dma_semaphore, #tpu.memory_space<semaphore_mem>>) src(%dma_wait3A_22 : memref<10240x128xf32, #tpu.memory_space<hbm>>) dst(%arg9 : memref<128x128xf32, #tpu.memory_space<vmem>>)
      "tpu.region"() ({
        %run_scoped3A = tpu.sem_alloc : memref<!tpu.dma_semaphore, #tpu.memory_space<semaphore_mem>>
        %dma_start3A_23 = arith.constant 0 : i32
        %dma_start3A_24 = tpu.memref_slice %arg8[%add3A_12, %dma_start3A_23] : memref<80x128xi32, #tpu.memory_space<vmem>> -> memref<1x128xi32, #tpu.memory_space<vmem>>
        %dma_start3A_25 = tpu.memref_squeeze %dma_start3A_24 : memref<1x128xi32, #tpu.memory_space<vmem>> -> memref<128xi32, #tpu.memory_space<vmem>>
        %dma_start3A_26 = arith.constant 0 : i32
        %dma_start3A_27 = arith.constant 0 : i32
        %dma_start3A_28 = tpu.memref_slice %arg10[%dma_start3A_26, %dma_start3A_27] : memref<10240x128xf32, #tpu.memory_space<vmem_shared>> -> memref<10240x128xf32, #tpu.memory_space<vmem_shared>>
        tpu.enqueue_indirect_dma source(%arg9 : memref<128x128xf32, #tpu.memory_space<vmem>>) target(%dma_start3A_28 : memref<10240x128xf32, #tpu.memory_space<vmem_shared>>) offsets(%dma_start3A_25 : memref<128xi32, #tpu.memory_space<vmem>>) semaphore(%run_scoped3A : memref<!tpu.dma_semaphore, #tpu.memory_space<semaphore_mem>>) {add = true}
        %dma_wait3A_29 = arith.constant 0 : i32
        %dma_wait3A_30 = tpu.memref_slice %arg8[%add3A_12, %dma_wait3A_29] : memref<80x128xi32, #tpu.memory_space<vmem>> -> memref<1x128xi32, #tpu.memory_space<vmem>>
        %dma_wait3A_31 = tpu.memref_squeeze %dma_wait3A_30 : memref<1x128xi32, #tpu.memory_space<vmem>> -> memref<128xi32, #tpu.memory_space<vmem>>
        %dma_wait3A_32 = arith.constant 0 : i32
        %dma_wait3A_33 = arith.constant 0 : i32
        %dma_wait3A_34 = tpu.memref_slice %arg10[%dma_wait3A_32, %dma_wait3A_33] : memref<10240x128xf32, #tpu.memory_space<vmem_shared>> -> memref<10240x128xf32, #tpu.memory_space<vmem_shared>>
        tpu.wait_indirect_dma semaphore(%run_scoped3A : memref<!tpu.dma_semaphore, #tpu.memory_space<semaphore_mem>>) src(%arg9 : memref<128x128xf32, #tpu.memory_space<vmem>>) dst(%dma_wait3A_34 : memref<10240x128xf32, #tpu.memory_space<vmem_shared>>)
        tpu.yield
      }) : () -> ()
    }
    %scan3A_6 = arith.constant 80 : i32
    %barrier3A_7 = arith.constant 0 : index
    tpu.barrier barrier_id(%barrier3A_7)
    "tpu.region"() ({
      %run_scoped3A = tpu.sem_alloc : memref<!tpu.dma_semaphore, #tpu.memory_space<semaphore_mem>>
      %dma_start3A = arith.constant 0 : i32
      %dma_start3A_8 = tpu.memref_slice %arg6[%arg0, %mul3A_2, %dma_start3A] : memref<2x10240x128xf32, #tpu.memory_space<hbm>> -> memref<1x640x128xf32, #tpu.memory_space<hbm>>
      %dma_start3A_9 = tpu.memref_squeeze %dma_start3A_8 : memref<1x640x128xf32, #tpu.memory_space<hbm>> -> memref<640x128xf32, #tpu.memory_space<hbm>>
      %dma_start3A_10 = arith.constant 0 : i32
      %dma_start3A_11 = tpu.memref_slice %arg10[%mul3A_2, %dma_start3A_10] : memref<10240x128xf32, #tpu.memory_space<vmem_shared>> -> memref<640x128xf32, #tpu.memory_space<vmem_shared>>
      tpu.enqueue_dma source(%dma_start3A_11 : memref<640x128xf32, #tpu.memory_space<vmem_shared>>) target(%dma_start3A_9 : memref<640x128xf32, #tpu.memory_space<hbm>>) target_semaphore(%run_scoped3A : memref<!tpu.dma_semaphore, #tpu.memory_space<semaphore_mem>>)
      %dma_wait3A = arith.constant 0 : i32
      %dma_wait3A_12 = tpu.memref_slice %arg6[%arg0, %mul3A_2, %dma_wait3A] : memref<2x10240x128xf32, #tpu.memory_space<hbm>> -> memref<1x640x128xf32, #tpu.memory_space<hbm>>
      %dma_wait3A_13 = tpu.memref_squeeze %dma_wait3A_12 : memref<1x640x128xf32, #tpu.memory_space<hbm>> -> memref<640x128xf32, #tpu.memory_space<hbm>>
      %dma_wait3A_14 = arith.constant 0 : i32
      %dma_wait3A_15 = tpu.memref_slice %arg10[%mul3A_2, %dma_wait3A_14] : memref<10240x128xf32, #tpu.memory_space<vmem_shared>> -> memref<640x128xf32, #tpu.memory_space<vmem_shared>>
      tpu.wait_dma2 semaphore(%run_scoped3A : memref<!tpu.dma_semaphore, #tpu.memory_space<semaphore_mem>>) src(%dma_wait3A_15 : memref<640x128xf32, #tpu.memory_space<vmem_shared>>) dst(%dma_wait3A_13 : memref<640x128xf32, #tpu.memory_space<hbm>>)
      tpu.yield
    }) : () -> ()
    return
  }
}

#map = affine_map<(d0, d1) -> (0, 0)>
#map1 = affine_map<(d0, d1) -> (0, 0, 0)>
module attributes {stable_mosaic.version = 14 : i64} {
  func.func @_sc_aggregate(%arg0: i32, %arg1: i32, %arg2: memref<10240x128xf32, #tpu.memory_space<hbm>>, %arg3: memref<32x80x128xi32, #tpu.memory_space<hbm>>, %arg4: memref<32x80x128xi32, #tpu.memory_space<hbm>>, %arg5: memref<10240x128xf32, #tpu.memory_space<hbm>>, %arg6: memref<2x10240x128xf32, #tpu.memory_space<hbm>>, %arg7: memref<80x128xi32, #tpu.memory_space<vmem>>, %arg8: memref<80x128xi32, #tpu.memory_space<vmem>>, %arg9: memref<128x128xf32, #tpu.memory_space<vmem>>, %arg10: memref<10240x128xf32, #tpu.memory_space<vmem_shared>>, %arg11: memref<!tpu.dma_semaphore, #tpu.memory_space<semaphore_mem>>) attributes {dimension_semantics = [#tpu.dimension_semantics<core_parallel>, #tpu.dimension_semantics<subcore_parallel>], iteration_bounds = array<i64: 2, 16>, scalar_prefetch = 0 : i64, scratch_operands = 5 : i64, tpu.core_type = #tpu.core_type<sc_vector_subcore>, window_params = [{transform_indices = #map}, {transform_indices = #map1}, {transform_indices = #map1}, {transform_indices = #map}, {transform_indices = #map1}]} {
    %mul3A = arith.constant 16 : i32
    %mul3A_0 = arith.muli %arg0, %mul3A : i32
    %add3A = arith.addi %mul3A_0, %arg1 : i32
    "tpu.region"() ({
      %run_scoped3A = tpu.sem_alloc : memref<!tpu.dma_semaphore, #tpu.memory_space<semaphore_mem>>
      %dma_start3A = arith.constant 0 : i32
      %dma_start3A_8 = arith.constant 0 : i32
      %dma_start3A_9 = tpu.memref_slice %arg3[%add3A, %dma_start3A, %dma_start3A_8] : memref<32x80x128xi32, #tpu.memory_space<hbm>> -> memref<1x80x128xi32, #tpu.memory_space<hbm>>
      %dma_start3A_10 = tpu.memref_squeeze %dma_start3A_9 : memref<1x80x128xi32, #tpu.memory_space<hbm>> -> memref<80x128xi32, #tpu.memory_space<hbm>>
      %dma_start3A_11 = arith.constant 0 : i32
      %dma_start3A_12 = arith.constant 0 : i32
      %dma_start3A_13 = tpu.memref_slice %arg3[%add3A, %dma_start3A_11, %dma_start3A_12] : memref<32x80x128xi32, #tpu.memory_space<hbm>> -> memref<1x80x128xi32, #tpu.memory_space<hbm>>
      %dma_start3A_14 = tpu.memref_squeeze %dma_start3A_13 : memref<1x80x128xi32, #tpu.memory_space<hbm>> -> memref<80x128xi32, #tpu.memory_space<hbm>>
      tpu.enqueue_dma source(%dma_start3A_14 : memref<80x128xi32, #tpu.memory_space<hbm>>) target(%arg7 : memref<80x128xi32, #tpu.memory_space<vmem>>) target_semaphore(%run_scoped3A : memref<!tpu.dma_semaphore, #tpu.memory_space<semaphore_mem>>)
      %dma_wait3A = arith.constant 0 : i32
      %dma_wait3A_15 = arith.constant 0 : i32
      %dma_wait3A_16 = tpu.memref_slice %arg3[%add3A, %dma_wait3A, %dma_wait3A_15] : memref<32x80x128xi32, #tpu.memory_space<hbm>> -> memref<1x80x128xi32, #tpu.memory_space<hbm>>
      %dma_wait3A_17 = tpu.memref_squeeze %dma_wait3A_16 : memref<1x80x128xi32, #tpu.memory_space<hbm>> -> memref<80x128xi32, #tpu.memory_space<hbm>>
      %dma_wait3A_18 = arith.constant 0 : i32
      %dma_wait3A_19 = arith.constant 0 : i32
      %dma_wait3A_20 = tpu.memref_slice %arg3[%add3A, %dma_wait3A_18, %dma_wait3A_19] : memref<32x80x128xi32, #tpu.memory_space<hbm>> -> memref<1x80x128xi32, #tpu.memory_space<hbm>>
      %dma_wait3A_21 = tpu.memref_squeeze %dma_wait3A_20 : memref<1x80x128xi32, #tpu.memory_space<hbm>> -> memref<80x128xi32, #tpu.memory_space<hbm>>
      tpu.wait_dma2 semaphore(%run_scoped3A : memref<!tpu.dma_semaphore, #tpu.memory_space<semaphore_mem>>) src(%dma_wait3A_21 : memref<80x128xi32, #tpu.memory_space<hbm>>) dst(%arg7 : memref<80x128xi32, #tpu.memory_space<vmem>>)
      tpu.yield
    }) : () -> ()
    "tpu.region"() ({
      %run_scoped3A = tpu.sem_alloc : memref<!tpu.dma_semaphore, #tpu.memory_space<semaphore_mem>>
      %dma_start3A = arith.constant 0 : i32
      %dma_start3A_8 = arith.constant 0 : i32
      %dma_start3A_9 = tpu.memref_slice %arg4[%add3A, %dma_start3A, %dma_start3A_8] : memref<32x80x128xi32, #tpu.memory_space<hbm>> -> memref<1x80x128xi32, #tpu.memory_space<hbm>>
      %dma_start3A_10 = tpu.memref_squeeze %dma_start3A_9 : memref<1x80x128xi32, #tpu.memory_space<hbm>> -> memref<80x128xi32, #tpu.memory_space<hbm>>
      %dma_start3A_11 = arith.constant 0 : i32
      %dma_start3A_12 = arith.constant 0 : i32
      %dma_start3A_13 = tpu.memref_slice %arg4[%add3A, %dma_start3A_11, %dma_start3A_12] : memref<32x80x128xi32, #tpu.memory_space<hbm>> -> memref<1x80x128xi32, #tpu.memory_space<hbm>>
      %dma_start3A_14 = tpu.memref_squeeze %dma_start3A_13 : memref<1x80x128xi32, #tpu.memory_space<hbm>> -> memref<80x128xi32, #tpu.memory_space<hbm>>
      tpu.enqueue_dma source(%dma_start3A_14 : memref<80x128xi32, #tpu.memory_space<hbm>>) target(%arg8 : memref<80x128xi32, #tpu.memory_space<vmem>>) target_semaphore(%run_scoped3A : memref<!tpu.dma_semaphore, #tpu.memory_space<semaphore_mem>>)
      %dma_wait3A = arith.constant 0 : i32
      %dma_wait3A_15 = arith.constant 0 : i32
      %dma_wait3A_16 = tpu.memref_slice %arg4[%add3A, %dma_wait3A, %dma_wait3A_15] : memref<32x80x128xi32, #tpu.memory_space<hbm>> -> memref<1x80x128xi32, #tpu.memory_space<hbm>>
      %dma_wait3A_17 = tpu.memref_squeeze %dma_wait3A_16 : memref<1x80x128xi32, #tpu.memory_space<hbm>> -> memref<80x128xi32, #tpu.memory_space<hbm>>
      %dma_wait3A_18 = arith.constant 0 : i32
      %dma_wait3A_19 = arith.constant 0 : i32
      %dma_wait3A_20 = tpu.memref_slice %arg4[%add3A, %dma_wait3A_18, %dma_wait3A_19] : memref<32x80x128xi32, #tpu.memory_space<hbm>> -> memref<1x80x128xi32, #tpu.memory_space<hbm>>
      %dma_wait3A_21 = tpu.memref_squeeze %dma_wait3A_20 : memref<1x80x128xi32, #tpu.memory_space<hbm>> -> memref<80x128xi32, #tpu.memory_space<hbm>>
      tpu.wait_dma2 semaphore(%run_scoped3A : memref<!tpu.dma_semaphore, #tpu.memory_space<semaphore_mem>>) src(%dma_wait3A_21 : memref<80x128xi32, #tpu.memory_space<hbm>>) dst(%arg8 : memref<80x128xi32, #tpu.memory_space<vmem>>)
      tpu.yield
    }) : () -> ()
    %mul3A_1 = arith.constant 640 : i32
    %mul3A_2 = arith.muli %arg1, %mul3A_1 : i32
    "tpu.region"() ({
      %run_scoped3A = tpu.sem_alloc : memref<!tpu.dma_semaphore, #tpu.memory_space<semaphore_mem>>
      %dma_start3A = arith.constant 0 : i32
      %dma_start3A_8 = tpu.memref_slice %arg10[%mul3A_2, %dma_start3A] : memref<10240x128xf32, #tpu.memory_space<vmem_shared>> -> memref<640x128xf32, #tpu.memory_space<vmem_shared>>
      %dma_start3A_9 = arith.constant 0 : i32
      %dma_start3A_10 = tpu.memref_slice %arg5[%mul3A_2, %dma_start3A_9] : memref<10240x128xf32, #tpu.memory_space<hbm>> -> memref<640x128xf32, #tpu.memory_space<hbm>>
      tpu.enqueue_dma source(%dma_start3A_10 : memref<640x128xf32, #tpu.memory_space<hbm>>) target(%dma_start3A_8 : memref<640x128xf32, #tpu.memory_space<vmem_shared>>) target_semaphore(%run_scoped3A : memref<!tpu.dma_semaphore, #tpu.memory_space<semaphore_mem>>)
      %dma_wait3A = arith.constant 0 : i32
      %dma_wait3A_11 = tpu.memref_slice %arg10[%mul3A_2, %dma_wait3A] : memref<10240x128xf32, #tpu.memory_space<vmem_shared>> -> memref<640x128xf32, #tpu.memory_space<vmem_shared>>
      %dma_wait3A_12 = arith.constant 0 : i32
      %dma_wait3A_13 = tpu.memref_slice %arg5[%mul3A_2, %dma_wait3A_12] : memref<10240x128xf32, #tpu.memory_space<hbm>> -> memref<640x128xf32, #tpu.memory_space<hbm>>
      tpu.wait_dma2 semaphore(%run_scoped3A : memref<!tpu.dma_semaphore, #tpu.memory_space<semaphore_mem>>) src(%dma_wait3A_13 : memref<640x128xf32, #tpu.memory_space<hbm>>) dst(%dma_wait3A_11 : memref<640x128xf32, #tpu.memory_space<vmem_shared>>)
      tpu.yield
    }) : () -> ()
    %barrier3A = arith.constant 0 : index
    tpu.barrier barrier_id(%barrier3A)
    %scan3A = arith.constant 0 : i32
    %scan3A_3 = arith.constant 80 : i32
    %scan3A_4 = arith.addi %scan3A, %scan3A_3 : i32
    %scan3A_5 = arith.constant 1 : i32
    scf.for %scan3A_8 = %scan3A to %scan3A_4 step %scan3A_5  : i32 {
      %mul3A_9 = arith.constant 1 : i32
      %mul3A_10 = arith.muli %scan3A_8, %mul3A_9 : i32
      %add3A_11 = arith.constant 0 : i32
      %add3A_12 = arith.addi %add3A_11, %mul3A_10 : i32
      %dma_start3A = arith.constant 0 : i32
      %dma_start3A_13 = tpu.memref_slice %arg7[%add3A_12, %dma_start3A] : memref<80x128xi32, #tpu.memory_space<vmem>> -> memref<1x128xi32, #tpu.memory_space<vmem>>
      %dma_start3A_14 = tpu.memref_squeeze %dma_start3A_13 : memref<1x128xi32, #tpu.memory_space<vmem>> -> memref<128xi32, #tpu.memory_space<vmem>>
      %dma_start3A_15 = arith.constant 0 : i32
      %dma_start3A_16 = arith.constant 0 : i32
      %dma_start3A_17 = tpu.memref_slice %arg2[%dma_start3A_15, %dma_start3A_16] : memref<10240x128xf32, #tpu.memory_space<hbm>> -> memref<10240x128xf32, #tpu.memory_space<hbm>>
      tpu.enqueue_indirect_dma source(%dma_start3A_17 : memref<10240x128xf32, #tpu.memory_space<hbm>>) target(%arg9 : memref<128x128xf32, #tpu.memory_space<vmem>>) offsets(%dma_start3A_14 : memref<128xi32, #tpu.memory_space<vmem>>) semaphore(%arg11 : memref<!tpu.dma_semaphore, #tpu.memory_space<semaphore_mem>>)
      %dma_wait3A = arith.constant 0 : i32
      %dma_wait3A_18 = tpu.memref_slice %arg7[%add3A_12, %dma_wait3A] : memref<80x128xi32, #tpu.memory_space<vmem>> -> memref<1x128xi32, #tpu.memory_space<vmem>>
      %dma_wait3A_19 = tpu.memref_squeeze %dma_wait3A_18 : memref<1x128xi32, #tpu.memory_space<vmem>> -> memref<128xi32, #tpu.memory_space<vmem>>
      %dma_wait3A_20 = arith.constant 0 : i32
      %dma_wait3A_21 = arith.constant 0 : i32
      %dma_wait3A_22 = tpu.memref_slice %arg2[%dma_wait3A_20, %dma_wait3A_21] : memref<10240x128xf32, #tpu.memory_space<hbm>> -> memref<10240x128xf32, #tpu.memory_space<hbm>>
      tpu.wait_indirect_dma semaphore(%arg11 : memref<!tpu.dma_semaphore, #tpu.memory_space<semaphore_mem>>) src(%dma_wait3A_22 : memref<10240x128xf32, #tpu.memory_space<hbm>>) dst(%arg9 : memref<128x128xf32, #tpu.memory_space<vmem>>)
      "tpu.region"() ({
        %run_scoped3A = tpu.sem_alloc : memref<!tpu.dma_semaphore, #tpu.memory_space<semaphore_mem>>
        %dma_start3A_23 = arith.constant 0 : i32
        %dma_start3A_24 = tpu.memref_slice %arg8[%add3A_12, %dma_start3A_23] : memref<80x128xi32, #tpu.memory_space<vmem>> -> memref<1x128xi32, #tpu.memory_space<vmem>>
        %dma_start3A_25 = tpu.memref_squeeze %dma_start3A_24 : memref<1x128xi32, #tpu.memory_space<vmem>> -> memref<128xi32, #tpu.memory_space<vmem>>
        %dma_start3A_26 = arith.constant 0 : i32
        %dma_start3A_27 = arith.constant 0 : i32
        %dma_start3A_28 = tpu.memref_slice %arg10[%dma_start3A_26, %dma_start3A_27] : memref<10240x128xf32, #tpu.memory_space<vmem_shared>> -> memref<10240x128xf32, #tpu.memory_space<vmem_shared>>
        tpu.enqueue_indirect_dma source(%arg9 : memref<128x128xf32, #tpu.memory_space<vmem>>) target(%dma_start3A_28 : memref<10240x128xf32, #tpu.memory_space<vmem_shared>>) offsets(%dma_start3A_25 : memref<128xi32, #tpu.memory_space<vmem>>) semaphore(%run_scoped3A : memref<!tpu.dma_semaphore, #tpu.memory_space<semaphore_mem>>) {add = true}
        %dma_wait3A_29 = arith.constant 0 : i32
        %dma_wait3A_30 = tpu.memref_slice %arg8[%add3A_12, %dma_wait3A_29] : memref<80x128xi32, #tpu.memory_space<vmem>> -> memref<1x128xi32, #tpu.memory_space<vmem>>
        %dma_wait3A_31 = tpu.memref_squeeze %dma_wait3A_30 : memref<1x128xi32, #tpu.memory_space<vmem>> -> memref<128xi32, #tpu.memory_space<vmem>>
        %dma_wait3A_32 = arith.constant 0 : i32
        %dma_wait3A_33 = arith.constant 0 : i32
        %dma_wait3A_34 = tpu.memref_slice %arg10[%dma_wait3A_32, %dma_wait3A_33] : memref<10240x128xf32, #tpu.memory_space<vmem_shared>> -> memref<10240x128xf32, #tpu.memory_space<vmem_shared>>
        tpu.wait_indirect_dma semaphore(%run_scoped3A : memref<!tpu.dma_semaphore, #tpu.memory_space<semaphore_mem>>) src(%arg9 : memref<128x128xf32, #tpu.memory_space<vmem>>) dst(%dma_wait3A_34 : memref<10240x128xf32, #tpu.memory_space<vmem_shared>>)
        tpu.yield
      }) : () -> ()
    }
    %scan3A_6 = arith.constant 80 : i32
    %barrier3A_7 = arith.constant 0 : index
    tpu.barrier barrier_id(%barrier3A_7)
    "tpu.region"() ({
      %run_scoped3A = tpu.sem_alloc : memref<!tpu.dma_semaphore, #tpu.memory_space<semaphore_mem>>
      %dma_start3A = arith.constant 0 : i32
      %dma_start3A_8 = tpu.memref_slice %arg6[%arg0, %mul3A_2, %dma_start3A] : memref<2x10240x128xf32, #tpu.memory_space<hbm>> -> memref<1x640x128xf32, #tpu.memory_space<hbm>>
      %dma_start3A_9 = tpu.memref_squeeze %dma_start3A_8 : memref<1x640x128xf32, #tpu.memory_space<hbm>> -> memref<640x128xf32, #tpu.memory_space<hbm>>
      %dma_start3A_10 = arith.constant 0 : i32
      %dma_start3A_11 = tpu.memref_slice %arg10[%mul3A_2, %dma_start3A_10] : memref<10240x128xf32, #tpu.memory_space<vmem_shared>> -> memref<640x128xf32, #tpu.memory_space<vmem_shared>>
      tpu.enqueue_dma source(%dma_start3A_11 : memref<640x128xf32, #tpu.memory_space<vmem_shared>>) target(%dma_start3A_9 : memref<640x128xf32, #tpu.memory_space<hbm>>) target_semaphore(%run_scoped3A : memref<!tpu.dma_semaphore, #tpu.memory_space<semaphore_mem>>)
      %dma_wait3A = arith.constant 0 : i32
      %dma_wait3A_12 = tpu.memref_slice %arg6[%arg0, %mul3A_2, %dma_wait3A] : memref<2x10240x128xf32, #tpu.memory_space<hbm>> -> memref<1x640x128xf32, #tpu.memory_space<hbm>>
      %dma_wait3A_13 = tpu.memref_squeeze %dma_wait3A_12 : memref<1x640x128xf32, #tpu.memory_space<hbm>> -> memref<640x128xf32, #tpu.memory_space<hbm>>
      %dma_wait3A_14 = arith.constant 0 : i32
      %dma_wait3A_15 = tpu.memref_slice %arg10[%mul3A_2, %dma_wait3A_14] : memref<10240x128xf32, #tpu.memory_space<vmem_shared>> -> memref<640x128xf32, #tpu.memory_space<vmem_shared>>
      tpu.wait_dma2 semaphore(%run_scoped3A : memref<!tpu.dma_semaphore, #tpu.memory_space<semaphore_mem>>) src(%dma_wait3A_15 : memref<640x128xf32, #tpu.memory_space<vmem_shared>>) dst(%dma_wait3A_13 : memref<640x128xf32, #tpu.memory_space<hbm>>)
      tpu.yield
    }) : () -> ()
    return
  }
}

module attributes {stable_mosaic.version = 14 : i64} {
  func.func @_tc_scale_kernel(%arg0: i32, %arg1: memref<1024x128xf32, #tpu.memory_space<vmem>>, %arg2: memref<2x1024x128xf32, #tpu.memory_space<vmem>>, %arg3: memref<128x128xf32, #tpu.memory_space<vmem>>, %arg4: memref<1024x128xf32, #tpu.memory_space<vmem>>, %arg5: memref<1024x128xf32, #tpu.memory_space<vmem>>) attributes {dimension_semantics = [#tpu.dimension_semantics<arbitrary>], iteration_bounds = array<i64: 10>, scalar_prefetch = 0 : i64, scratch_operands = 0 : i64, tpu.core_type = #tpu.core_type<tc>, window_params = [{transform_indices = @transform_0, window_bounds = array<i64: 1024, 128>}, {transform_indices = @transform_1, window_bounds = array<i64: 2, 1024, 128>}, {pipeline_mode = #tpu.pipeline_mode<synchronous>, transform_indices = @transform_2, window_bounds = array<i64: 128, 128>}, {transform_indices = @transform_3, window_bounds = array<i64: 1024, 128>}, {transform_indices = @transform_4, window_bounds = array<i64: 1024, 128>}]} {
    %get3A = arith.constant 0 : index
    %get3A_0 = arith.constant 0 : index
    %get3A_1 = arith.constant 0 : index
    %get3A_2 = vector.load %arg2[%get3A, %get3A_0, %get3A_1] : memref<2x1024x128xf32, #tpu.memory_space<vmem>>, vector<1x1024x128xf32>
    %get3A_3 = vector.shape_cast %get3A_2 : vector<1x1024x128xf32> to vector<1024x128xf32>
    %get3A_4 = arith.constant 1 : index
    %get3A_5 = arith.constant 0 : index
    %get3A_6 = arith.constant 0 : index
    %get3A_7 = vector.load %arg2[%get3A_4, %get3A_5, %get3A_6] : memref<2x1024x128xf32, #tpu.memory_space<vmem>>, vector<1x1024x128xf32>
    %get3A_8 = vector.shape_cast %get3A_7 : vector<1x1024x128xf32> to vector<1024x128xf32>
    %add3A = arith.addf %get3A_3, %get3A_8 : vector<1024x128xf32>
    %slice3A = vector.extract_strided_slice %add3A {offsets = [0, 0], sizes = [1024, 1], strides = [1, 1]} : vector<1024x128xf32> to vector<1024x1xf32>
    %add3A_9 = arith.constant 1.000000e+00 : f32
    %add3A_10 = vector.broadcast %add3A_9 : f32 to vector<1024x1xf32>
    %add3A_11 = arith.addf %slice3A, %add3A_10 : vector<1024x1xf32>
    %rsqrt3A = math.rsqrt %add3A_11 : vector<1024x1xf32>
    %broadcast_in_dim3A = vector.shape_cast %rsqrt3A : vector<1024x1xf32> to vector<1024x1xf32>
    %broadcast_in_dim3A_12 = vector.broadcast %broadcast_in_dim3A : vector<1024x1xf32> to vector<1024x128xf32>
    %get3A_13 = arith.constant 0 : index
    %get3A_14 = arith.constant 0 : index
    %get3A_15 = vector.load %arg1[%get3A_13, %get3A_14] : memref<1024x128xf32, #tpu.memory_space<vmem>>, vector<1024x128xf32>
    %get3A_16 = arith.constant 0 : index
    %get3A_17 = arith.constant 0 : index
    %get3A_18 = vector.load %arg3[%get3A_16, %get3A_17] : memref<128x128xf32, #tpu.memory_space<vmem>>, vector<128x128xf32>
    %dot_general3A = arith.constant dense<0.000000e+00> : vector<1024x128xf32>
    %dot_general3A_19 = tpu.matmul %get3A_15, %get3A_18, %dot_general3A {dimension_numbers = #tpu.dot_dimension_numbers<[1], [0], [0], [1], [0, 0, 1, 1], [], []>, precision = #tpu.contract_precision<fp32>, transpose_lhs_hint = false} : vector<1024x128xf32>, vector<128x128xf32>, vector<1024x128xf32> -> vector<1024x128xf32>
    %mul3A = arith.mulf %broadcast_in_dim3A_12, %dot_general3A_19 : vector<1024x128xf32>
    %swap3A = arith.constant 0 : index
    %swap3A_20 = arith.constant 0 : index
    %swap3A_21 = vector.load %arg4[%swap3A, %swap3A_20] : memref<1024x128xf32, #tpu.memory_space<vmem>>, vector<1024x128xf32>
    tpu.vector_store %arg4[%swap3A, %swap3A_20], %mul3A {strides = array<i32>} : memref<1024x128xf32, #tpu.memory_space<vmem>>, vector<1024x128xf32>,
    %swap3A_22 = arith.constant 0 : index
    %swap3A_23 = arith.constant 0 : index
    %swap3A_24 = vector.load %arg5[%swap3A_22, %swap3A_23] : memref<1024x128xf32, #tpu.memory_space<vmem>>, vector<1024x128xf32>
    tpu.vector_store %arg5[%swap3A_22, %swap3A_23], %broadcast_in_dim3A_12 {strides = array<i32>} : memref<1024x128xf32, #tpu.memory_space<vmem>>, vector<1024x128xf32>,
    return
  }
  func.func @transform_0(%arg0: i32) -> (i32, i32) {
    %c0_i32 = arith.constant 0 : i32
    %c0_i32_0 = arith.constant 0 : i32
    return %arg0, %c0_i32 : i32, i32
  }
  func.func @transform_1(%arg0: i32) -> (i32, i32, i32) {
    %c0_i32 = arith.constant 0 : i32
    %c0_i32_0 = arith.constant 0 : i32
    %c0_i32_1 = arith.constant 0 : i32
    return %c0_i32, %arg0, %c0_i32_0 : i32, i32, i32
  }
  func.func @transform_2(%arg0: i32) -> (i32, i32) {
    %c0_i32 = arith.constant 0 : i32
    %c0_i32_0 = arith.constant 0 : i32
    %c0_i32_1 = arith.constant 0 : i32
    return %c0_i32, %c0_i32_0 : i32, i32
  }
  func.func @transform_3(%arg0: i32) -> (i32, i32) {
    %c0_i32 = arith.constant 0 : i32
    %c0_i32_0 = arith.constant 0 : i32
    return %arg0, %c0_i32 : i32, i32
  }
  func.func @transform_4(%arg0: i32) -> (i32, i32) {
    %c0_i32 = arith.constant 0 : i32
    %c0_i32_0 = arith.constant 0 : i32
    return %arg0, %c0_i32 : i32, i32
  }
}

module attributes {stable_mosaic.version = 14 : i64} {
  func.func @_tc_layer_kernel(%arg0: i32, %arg1: memref<2x1024x128xf32, #tpu.memory_space<vmem>>, %arg2: memref<1024x128xf32, #tpu.memory_space<vmem>>, %arg3: memref<1024x128xf32, #tpu.memory_space<vmem>>, %arg4: memref<1x128xf32, #tpu.memory_space<vmem>>, %arg5: memref<128x128xf32, #tpu.memory_space<vmem>>, %arg6: memref<1024x128xf32, #tpu.memory_space<vmem>>) attributes {dimension_semantics = [#tpu.dimension_semantics<arbitrary>], iteration_bounds = array<i64: 10>, scalar_prefetch = 0 : i64, scratch_operands = 0 : i64, tpu.core_type = #tpu.core_type<tc>, window_params = [{transform_indices = @transform_0, window_bounds = array<i64: 2, 1024, 128>}, {transform_indices = @transform_1, window_bounds = array<i64: 1024, 128>}, {transform_indices = @transform_2, window_bounds = array<i64: 1024, 128>}, {pipeline_mode = #tpu.pipeline_mode<synchronous>, transform_indices = @transform_3, window_bounds = array<i64: 1, 128>}, {pipeline_mode = #tpu.pipeline_mode<synchronous>, transform_indices = @transform_4, window_bounds = array<i64: 128, 128>}, {transform_indices = @transform_5, window_bounds = array<i64: 1024, 128>}]} {
    %get3A = arith.constant 0 : index
    %get3A_0 = arith.constant 0 : index
    %get3A_1 = arith.constant 0 : index
    %get3A_2 = vector.load %arg1[%get3A, %get3A_0, %get3A_1] : memref<2x1024x128xf32, #tpu.memory_space<vmem>>, vector<1x1024x128xf32>
    %get3A_3 = vector.shape_cast %get3A_2 : vector<1x1024x128xf32> to vector<1024x128xf32>
    %get3A_4 = arith.constant 1 : index
    %get3A_5 = arith.constant 0 : index
    %get3A_6 = arith.constant 0 : index
    %get3A_7 = vector.load %arg1[%get3A_4, %get3A_5, %get3A_6] : memref<2x1024x128xf32, #tpu.memory_space<vmem>>, vector<1x1024x128xf32>
    %get3A_8 = vector.shape_cast %get3A_7 : vector<1x1024x128xf32> to vector<1024x128xf32>
    %add3A = arith.addf %get3A_3, %get3A_8 : vector<1024x128xf32>
    %get3A_9 = arith.constant 0 : index
    %get3A_10 = arith.constant 0 : index
    %get3A_11 = vector.load %arg2[%get3A_9, %get3A_10] : memref<1024x128xf32, #tpu.memory_space<vmem>>, vector<1024x128xf32>
    %add3A_12 = arith.addf %add3A, %get3A_11 : vector<1024x128xf32>
    %get3A_13 = arith.constant 0 : index
    %get3A_14 = arith.constant 0 : index
    %get3A_15 = vector.load %arg3[%get3A_13, %get3A_14] : memref<1024x128xf32, #tpu.memory_space<vmem>>, vector<1024x128xf32>
    %mul3A = arith.mulf %get3A_15, %add3A_12 : vector<1024x128xf32>
    %get3A_16 = arith.constant 0 : index
    %get3A_17 = arith.constant 0 : index
    %get3A_18 = vector.load %arg4[%get3A_16, %get3A_17] : memref<1x128xf32, #tpu.memory_space<vmem>>, vector<1x128xf32>
    %add3A_19 = vector.broadcast %get3A_18 : vector<1x128xf32> to vector<1024x128xf32>
    %add3A_20 = arith.addf %mul3A, %add3A_19 : vector<1024x128xf32>
    %max3A = arith.constant 0.000000e+00 : f32
    %max3A_21 = vector.broadcast %max3A : f32 to vector<1024x128xf32>
    %max3A_22 = arith.maximumf %add3A_20, %max3A_21 : vector<1024x128xf32>
    %get3A_23 = arith.constant 0 : index
    %get3A_24 = arith.constant 0 : index
    %get3A_25 = vector.load %arg5[%get3A_23, %get3A_24] : memref<128x128xf32, #tpu.memory_space<vmem>>, vector<128x128xf32>
    %dot_general3A = arith.constant dense<0.000000e+00> : vector<1024x128xf32>
    %dot_general3A_26 = tpu.matmul %max3A_22, %get3A_25, %dot_general3A {dimension_numbers = #tpu.dot_dimension_numbers<[1], [0], [0], [1], [0, 0, 1, 1], [], []>, precision = #tpu.contract_precision<fp32>, transpose_lhs_hint = false} : vector<1024x128xf32>, vector<128x128xf32>, vector<1024x128xf32> -> vector<1024x128xf32>
    %get3A_27 = arith.constant 0 : index
    %get3A_28 = arith.constant 0 : index
    %get3A_29 = vector.load %arg3[%get3A_27, %get3A_28] : memref<1024x128xf32, #tpu.memory_space<vmem>>, vector<1024x128xf32>
    %mul3A_30 = arith.mulf %get3A_29, %dot_general3A_26 : vector<1024x128xf32>
    %swap3A = arith.constant 0 : index
    %swap3A_31 = arith.constant 0 : index
    %swap3A_32 = vector.load %arg6[%swap3A, %swap3A_31] : memref<1024x128xf32, #tpu.memory_space<vmem>>, vector<1024x128xf32>
    tpu.vector_store %arg6[%swap3A, %swap3A_31], %mul3A_30 {strides = array<i32>} : memref<1024x128xf32, #tpu.memory_space<vmem>>, vector<1024x128xf32>,
    return
  }
  func.func @transform_0(%arg0: i32) -> (i32, i32, i32) {
    %c0_i32 = arith.constant 0 : i32
    %c0_i32_0 = arith.constant 0 : i32
    %c0_i32_1 = arith.constant 0 : i32
    return %c0_i32, %arg0, %c0_i32_0 : i32, i32, i32
  }
  func.func @transform_1(%arg0: i32) -> (i32, i32) {
    %c0_i32 = arith.constant 0 : i32
    %c0_i32_0 = arith.constant 0 : i32
    return %arg0, %c0_i32 : i32, i32
  }
  func.func @transform_2(%arg0: i32) -> (i32, i32) {
    %c0_i32 = arith.constant 0 : i32
    %c0_i32_0 = arith.constant 0 : i32
    return %arg0, %c0_i32 : i32, i32
  }
  func.func @transform_3(%arg0: i32) -> (i32, i32) {
    %c0_i32 = arith.constant 0 : i32
    %c0_i32_0 = arith.constant 0 : i32
    %c0_i32_1 = arith.constant 0 : i32
    return %c0_i32, %c0_i32_0 : i32, i32
  }
  func.func @transform_4(%arg0: i32) -> (i32, i32) {
    %c0_i32 = arith.constant 0 : i32
    %c0_i32_0 = arith.constant 0 : i32
    %c0_i32_1 = arith.constant 0 : i32
    return %c0_i32, %c0_i32_0 : i32, i32
  }
  func.func @transform_5(%arg0: i32) -> (i32, i32) {
    %c0_i32 = arith.constant 0 : i32
    %c0_i32_0 = arith.constant 0 : i32
    return %arg0, %c0_i32 : i32, i32
  }
}

module attributes {stable_mosaic.version = 14 : i64} {
  func.func @_tc_pool_kernel(%arg0: i32, %arg1: memref<2x1024x128xf32, #tpu.memory_space<vmem>>, %arg2: memref<1024x128xf32, #tpu.memory_space<vmem>>, %arg3: memref<1024x128xf32, #tpu.memory_space<vmem>>, %arg4: memref<1x128xf32, #tpu.memory_space<vmem>>, %arg5: memref<1x128xf32, #tpu.memory_space<vmem>>) attributes {dimension_semantics = [#tpu.dimension_semantics<arbitrary>], iteration_bounds = array<i64: 10>, scalar_prefetch = 0 : i64, scratch_operands = 0 : i64, tpu.core_type = #tpu.core_type<tc>, window_params = [{transform_indices = @transform_0, window_bounds = array<i64: 2, 1024, 128>}, {transform_indices = @transform_1, window_bounds = array<i64: 1024, 128>}, {transform_indices = @transform_2, window_bounds = array<i64: 1024, 128>}, {pipeline_mode = #tpu.pipeline_mode<synchronous>, transform_indices = @transform_3, window_bounds = array<i64: 1, 128>}, {pipeline_mode = #tpu.pipeline_mode<synchronous>, transform_indices = @transform_4, window_bounds = array<i64: 1, 128>}]} {
    %get3A = arith.constant 0 : index
    %get3A_0 = arith.constant 0 : index
    %get3A_1 = arith.constant 0 : index
    %get3A_2 = vector.load %arg1[%get3A, %get3A_0, %get3A_1] : memref<2x1024x128xf32, #tpu.memory_space<vmem>>, vector<1x1024x128xf32>
    %get3A_3 = vector.shape_cast %get3A_2 : vector<1x1024x128xf32> to vector<1024x128xf32>
    %get3A_4 = arith.constant 1 : index
    %get3A_5 = arith.constant 0 : index
    %get3A_6 = arith.constant 0 : index
    %get3A_7 = vector.load %arg1[%get3A_4, %get3A_5, %get3A_6] : memref<2x1024x128xf32, #tpu.memory_space<vmem>>, vector<1x1024x128xf32>
    %get3A_8 = vector.shape_cast %get3A_7 : vector<1x1024x128xf32> to vector<1024x128xf32>
    %add3A = arith.addf %get3A_3, %get3A_8 : vector<1024x128xf32>
    %get3A_9 = arith.constant 0 : index
    %get3A_10 = arith.constant 0 : index
    %get3A_11 = vector.load %arg2[%get3A_9, %get3A_10] : memref<1024x128xf32, #tpu.memory_space<vmem>>, vector<1024x128xf32>
    %add3A_12 = arith.addf %add3A, %get3A_11 : vector<1024x128xf32>
    %get3A_13 = arith.constant 0 : index
    %get3A_14 = arith.constant 0 : index
    %get3A_15 = vector.load %arg3[%get3A_13, %get3A_14] : memref<1024x128xf32, #tpu.memory_space<vmem>>, vector<1024x128xf32>
    %mul3A = arith.mulf %get3A_15, %add3A_12 : vector<1024x128xf32>
    %get3A_16 = arith.constant 0 : index
    %get3A_17 = arith.constant 0 : index
    %get3A_18 = vector.load %arg4[%get3A_16, %get3A_17] : memref<1x128xf32, #tpu.memory_space<vmem>>, vector<1x128xf32>
    %add3A_19 = vector.broadcast %get3A_18 : vector<1x128xf32> to vector<1024x128xf32>
    %add3A_20 = arith.addf %mul3A, %add3A_19 : vector<1024x128xf32>
    %max3A = arith.constant 0.000000e+00 : f32
    %max3A_21 = vector.broadcast %max3A : f32 to vector<1024x128xf32>
    %max3A_22 = arith.maximumf %add3A_20, %max3A_21 : vector<1024x128xf32>
    %iota3A = tpu.iota {dimensions = array<i32: 0>} : vector<1024x128xi32>
    %mul3A_23 = arith.constant 1024 : i32
    %mul3A_24 = arith.muli %arg0, %mul3A_23 : i32
    %add3A_25 = vector.broadcast %mul3A_24 : i32 to vector<1024x128xi32>
    %add3A_26 = arith.addi %iota3A, %add3A_25 : vector<1024x128xi32>
    %lt3A = arith.constant 10000 : i32
    %lt3A_27 = vector.broadcast %lt3A : i32 to vector<1024x128xi32>
    %lt3A_28 = arith.cmpi slt, %add3A_26, %lt3A_27 : vector<1024x128xi32>
    %jit3A = arith.constant 0.000000e+00 : f32
    %broadcast_in_dim3A = vector.broadcast %jit3A : f32 to vector<1024x128xf32>
    %select_n3A = arith.select %lt3A_28, %max3A_22, %broadcast_in_dim3A : vector<1024x128xi1>, vector<1024x128xf32>
    %reduce_sum3A = arith.constant dense<0.000000e+00> : vector<128xf32>
    %reduce_sum3A_29 = vector.multi_reduction <add>, %select_n3A, %reduce_sum3A [0] : vector<1024x128xf32> to vector<128xf32>
    %broadcast_in_dim3A_30 = vector.shape_cast %reduce_sum3A_29 : vector<128xf32> to vector<1x128xf32>
    %mul3A_31 = arith.constant 9.99999974E-5 : f32
    %mul3A_32 = vector.broadcast %mul3A_31 : f32 to vector<1x128xf32>
    %mul3A_33 = arith.mulf %broadcast_in_dim3A_30, %mul3A_32 : vector<1x128xf32>
    %eq3A = arith.constant 0 : i32
    %eq3A_34 = arith.cmpi eq, %arg0, %eq3A : i32
    %convert_element_type3A = arith.extui %eq3A_34 : i1 to i32
    %cond3A = arith.constant 0 : i32
    %cond3A_35 = arith.cmpi ne, %convert_element_type3A, %cond3A : i32
    scf.if %cond3A_35 {
      %broadcast_in_dim3A_42 = arith.constant 0.000000e+00 : f32
      %broadcast_in_dim3A_43 = vector.broadcast %broadcast_in_dim3A_42 : f32 to vector<1x128xf32>
      %swap3A_44 = arith.constant 0 : index
      %swap3A_45 = arith.constant 0 : index
      %swap3A_46 = vector.load %arg5[%swap3A_44, %swap3A_45] : memref<1x128xf32, #tpu.memory_space<vmem>>, vector<1x128xf32>
      tpu.vector_store %arg5[%swap3A_44, %swap3A_45], %broadcast_in_dim3A_43 {strides = array<i32>} : memref<1x128xf32, #tpu.memory_space<vmem>>, vector<1x128xf32>,
    } else {
    }
    %get3A_36 = arith.constant 0 : index
    %get3A_37 = arith.constant 0 : index
    %get3A_38 = vector.load %arg5[%get3A_36, %get3A_37] : memref<1x128xf32, #tpu.memory_space<vmem>>, vector<1x128xf32>
    %add3A_39 = arith.addf %get3A_38, %mul3A_33 : vector<1x128xf32>
    %swap3A = arith.constant 0 : index
    %swap3A_40 = arith.constant 0 : index
    %swap3A_41 = vector.load %arg5[%swap3A, %swap3A_40] : memref<1x128xf32, #tpu.memory_space<vmem>>, vector<1x128xf32>
    tpu.vector_store %arg5[%swap3A, %swap3A_40], %add3A_39 {strides = array<i32>} : memref<1x128xf32, #tpu.memory_space<vmem>>, vector<1x128xf32>,
    return
  }
  func.func @transform_0(%arg0: i32) -> (i32, i32, i32) {
    %c0_i32 = arith.constant 0 : i32
    %c0_i32_0 = arith.constant 0 : i32
    %c0_i32_1 = arith.constant 0 : i32
    return %c0_i32, %arg0, %c0_i32_0 : i32, i32, i32
  }
  func.func @transform_1(%arg0: i32) -> (i32, i32) {
    %c0_i32 = arith.constant 0 : i32
    %c0_i32_0 = arith.constant 0 : i32
    return %arg0, %c0_i32 : i32, i32
  }
  func.func @transform_2(%arg0: i32) -> (i32, i32) {
    %c0_i32 = arith.constant 0 : i32
    %c0_i32_0 = arith.constant 0 : i32
    return %arg0, %c0_i32 : i32, i32
  }
  func.func @transform_3(%arg0: i32) -> (i32, i32) {
    %c0_i32 = arith.constant 0 : i32
    %c0_i32_0 = arith.constant 0 : i32
    %c0_i32_1 = arith.constant 0 : i32
    return %c0_i32, %c0_i32_0 : i32, i32
  }
  func.func @transform_4(%arg0: i32) -> (i32, i32) {
    %c0_i32 = arith.constant 0 : i32
    %c0_i32_0 = arith.constant 0 : i32
    %c0_i32_1 = arith.constant 0 : i32
    return %c0_i32, %c0_i32_0 : i32, i32
  }
}

</mosaic_0001>

<sc_bundles>
// kernel: kernel.11.cloned.1.call-start
scs
__scs_entry_jumppad:
0x0: {  	(pc) =	sbr.rel $0x88, $3  }
0x1: {  	(tag) =	ssettag $0x0;
	lr =	simm.s32 $0x1  }
0x2: {  	[smem:$0x3F9B] =	sst lr;
	_ =	strace $0xD0000000  }
0x3: {  	_ = 	snop  }
0x4: {  	_ = 	snop  }
0x5: {  	_ = 	snop  }
0x6: {  	_ = 	snop  }
0x7: {  	_ = 	snop  }
__scs_overlays_trampoline_lowered:
0x8: {  	[smem:$0x3FAA] =	sst s0  }
0x9: {  	[smem:$0x3FAB] =	sst s1  }
0xa: {  	[smem:$0x3FAC] =	sst s2  }
0xb: {  	[smem:$0x3FAD] =	sst s3  }
0xc: {  	[smem:$0x3FAE] =	sst s4  }
0xd: {  	[smem:$0x3FAF] =	sst s5  }
0xe: {  	[smem:$0x3FB0] =	sst s6  }
0xf: {  	[smem:$0x3FB1] =	sst s7  }
0x10: {  	[smem:$0x3FB2] =	sst s8  }
0x11: {  	[smem:$0x3FB3] =	sst s9;
	s0 =	simm.s32 @!p0 $0x0  }
0x12: {  	s1 =	sld [smem:$0x3F99];
	s0 =	simm.s32 @p0 $0x1  }
0x13: {  	[smem:$0x3FB4] =	sst s0;
	s0 =	simm.s32 @!p1 $0x0  }
0x14: {  	s2 =	sld [smem:$0x3F98];
	s0 =	simm.s32 @p1 $0x1  }
0x15: {  	[smem:$0x3FB5] =	sst s0;
	s0 =	simm.s32 @!p2 $0x0  }
0x16: {  	s3 =	sld [smem:$0x3FDB];
	s0 =	simm.s32 @p2 $0x1  }
0x17: {  	s4 =	simm.s32 $0x1BF5;
	[smem:$0x3FB7] =	sst s0  }
0x18: {  	s0 =	sld [smem:$0x3F9A];
	_ =	swait.ge [sflag:s4], $0x0  }
0x19: {  	s7 =	sld [smem:$0x3F9B]  }
0x1a: {  	s8 =	sadd.s32 $0xFFFFE003, lr  }
0x1b: {  	s9 =	sadd.s32 $0xFFFFFEF7, lr;
	s5 =	simm.s32 $0xFFFFFFFF;
	p2 =	slt.u32 s8, $0xFFFFF086  }
0x1c: {  	p1 =	slt.u32 s9, $0xF7A;
	s5 =	simm.s32 @!p2 $0x0  }
0x1d: {  	s5 =	simm.s32 @p1 $0x1;
	p0 =	seq.s32 s7, s2  }
0x1e: {  	s7 =	smul.u32 @!p0 $0xF7A, s2;
	p2 =	seq.s32 @!p0 s5, $0x0  }
0x1f: {  	s9 =	smul.u32 $0xF7A, s1;
	s8 =	simm.s32 @!p0 $0x1BF5;
	p2 =	por !p2, p0  }
0x20: {  	[sflag:s8] =	ssyncset.s32 @!p0 $0xFFFFF086;
	s6 =	sadd.s32 @!p0 s3, s7;
	s7 =	simm.s32 @!p0 $0x108  }
0x21: {  	s3 =	sadd.s32 s3, s9;
	s6 =	sadd.s32 @!p0 $0x88, s6;
	s7 =	simm.s32 @p2 $0x1082  }
0x22: {  	[simem:s7], [sflag:s8] =	dma.local @!p0 [hbm:s6], $0xF7A  }
0x23: {  	s9 =	sor.u32 $0xD0000000, s2;
	s6 =	simm.s32 $0x108;
	_ =	swait.ge @!p0 [sflag:s8], $0x0  }
0x24: {  	s3 =	sadd.s32 $0x88, s3;
	s6 =	simm.s32 @!p1 $0x1082;
	[sflag:s4] =	ssyncset.s32 $0xFFFFF086  }
0x25: {  	[simem:s6], [sflag:s4] =	dma.local [hbm:s3], $0xF7A  }
0x26: {  	[smem:$0x3F9B] =	sst s1;
	(tag) =	ssettag s2;
	_ =	strace s9  }
0x27: {  	s1 =	sld [smem:$0x3FAB]  }
0x28: {  	s2 =	sld [smem:$0x3FAC]  }
0x29: {  	s4 =	sld [smem:$0x3FAE]  }
0x2a: {  	p0 =	seq.s32 s5, $0x0;
	s5 =	sld [smem:$0x3FAF]  }
0x2b: {  	s6 =	sld [smem:$0x3FB0]  }
0x2c: {  	s7 =	sld [smem:$0x3FB1]  }
0x2d: {  	s3 =	simm.s32 $0x108;
	s8 =	sld [smem:$0x3FB2]  }
0x2e: {  	s3 =	simm.s32 @!p0 $0x1082;
	s9 =	sld [smem:$0x3FB3]  }
0x2f: {  	lr =	sadd.s32 s0, s3;
	s0 =	sld [smem:$0x3FAA]  }
0x30: {  	s3 =	sld [smem:$0x3FAD]  }
0x31: {  	[smem:$0x3FB6] =	sst s10  }
0x32: {  	s10 =	sld [smem:$0x3FB4];
	_ =	sdelay $0x3  }
0x33: {  	p0 =	seq.s32 s10, $0x1;
	s10 =	sld [smem:$0x3FB6];
	_ =	sdelay $0x3  }
0x34: {  	[smem:$0x3FB6] =	sst s10  }
0x35: {  	s10 =	sld [smem:$0x3FB5];
	_ =	sdelay $0x3  }
0x36: {  	p1 =	seq.s32 s10, $0x1;
	s10 =	sld [smem:$0x3FB6];
	_ =	sdelay $0x3  }
0x37: {  	[smem:$0x3FB6] =	sst s10  }
0x38: {  	s10 =	sld [smem:$0x3FB7]  }
0x39: {  	_ = 	snop;
	(pc) =	sbr.ind lr, $3  }
0x3a: {  	_ = 	snop  }
0x3b: {  	_ = 	snop  }
0x3c: {  	p2 =	seq.s32 s10, $0x1;
	s10 =	sld [smem:$0x3FB6]  }
0x3d: {  	_ =	shalt  }
0x3e: {  	_ =	shalt  }
0x3f: {  	_ =	shalt  }
0x40: {  	_ =	shalt  }
0x41: {  	_ =	shalt  }
0x42: {  	_ =	shalt  }
0x43: {  	_ =	shalt  }
0x44: {  	_ =	shalt  }
0x45: {  	_ =	shalt  }
0x46: {  	_ =	shalt  }
0x47: {  	_ =	shalt  }
0x48: {  	_ =	shalt  }
0x49: {  	_ =	shalt  }
0x4a: {  	_ =	shalt  }
0x4b: {  	_ =	shalt  }
0x4c: {  	_ =	shalt  }
0x4d: {  	_ =	shalt  }
0x4e: {  	_ =	shalt  }
0x4f: {  	_ =	shalt  }
0x50: {  	_ =	shalt  }
0x51: {  	_ =	shalt  }
0x52: {  	_ =	shalt  }
0x53: {  	_ =	shalt  }
0x54: {  	_ =	shalt  }
0x55: {  	_ =	shalt  }
0x56: {  	_ =	shalt  }
0x57: {  	_ =	shalt  }
0x58: {  	_ =	shalt  }
0x59: {  	_ =	shalt  }
0x5a: {  	_ =	shalt  }
0x5b: {  	_ =	shalt  }
0x5c: {  	_ =	shalt  }
0x5d: {  	_ =	shalt  }
0x5e: {  	_ =	shalt  }
0x5f: {  	_ =	shalt  }
0x60: {  	_ =	shalt  }
0x61: {  	_ =	shalt  }
0x62: {  	_ =	shalt  }
0x63: {  	_ =	shalt  }
0x64: {  	_ =	shalt  }
0x65: {  	_ =	shalt  }
0x66: {  	_ =	shalt  }
0x67: {  	_ =	shalt  }
0x68: {  	_ =	shalt  }
0x69: {  	_ =	shalt  }
0x6a: {  	_ =	shalt  }
0x6b: {  	_ =	shalt  }
0x6c: {  	_ =	shalt  }
0x6d: {  	_ =	shalt  }
0x6e: {  	_ =	shalt  }
0x6f: {  	_ =	shalt  }
0x70: {  	_ =	shalt  }
0x71: {  	_ =	shalt  }
0x72: {  	_ =	shalt  }
0x73: {  	_ =	shalt  }
0x74: {  	_ =	shalt  }
0x75: {  	_ =	shalt  }
0x76: {  	_ =	shalt  }
0x77: {  	_ =	shalt  }
0x78: {  	_ =	shalt  }
0x79: {  	_ =	shalt  }
0x7a: {  	_ =	shalt  }
0x7b: {  	_ =	shalt  }
0x7c: {  	_ =	shalt  }
0x7d: {  	_ =	shalt  }
0x7e: {  	_ =	shalt  }
0x7f: {  	_ =	shalt  }
0x80: {  	_ =	shalt  }
0x81: {  	_ =	shalt  }
0x82: {  	_ =	shalt  }
0x83: {  	_ =	shalt  }
0x84: {  	_ =	shalt  }
0x85: {  	_ =	shalt  }
0x86: {  	_ =	shalt  }
0x87: {  	_ =	shalt  }
.Lfunc_end0:
.L_simem_size_0:
called_computation.1_lowered:
.L_overlay_start_0:
0x88: {  	s2 =	sld [smem:$0x3FD9]  }
0x89: {  	s3 =	sld [smem:$0x3FFE];
	_ =	sdelay $0x1  }
0x8a: {  	s1 =	srdreg.scid  }
0x8b: {  	s0 =	sand.u32 $0x1, s1  }
0x8c: {  	s16 =	sshll.u32 s0, $0xA;
	s2 =	sadd.s32 s3, s2  }
0x8d: {  	s2 =	sadd.s32 s2, s16  }
0x8e: {  	[smem:$0x3FC2] =	sst s2  }
0x8f: {  	_ = 	snop  }
0x90: {  	(tm) =	ssettm $0x1  }
0x91: {  	s17 =	sld [smem:$0x3FFB];
	_ =	sdelay $0x3  }
0x92: {  	_ =	strace s17  }
0x93: {  	s2 =	sld [smem:$0x3FFC];
	_ =	sdelay $0x3  }
0x94: {  	_ =	strace s2  }
0x95: {  	s2 =	sld [smem:$0x3FFD];
	_ =	sdelay $0x3  }
0x96: {  	_ =	strace s2  }
0x97: {  	_ =	strace $0x8FFFFFFF  }
0x98: {  	s18 =	sld [smem:$0x3FDB];
	_ =	sdelay $0x1  }
0x99: {  	s19 =	simm.s32 $_scs_section_size  }
0x9a: {  	s4 =	simm.s32 $_size__tile_overlayer_lowered;
	s5 =	simm.s32 $_tile_overlayer_lowered  }
0x9b: {  	s22 =	simm.s32 $0x1BFF;
	s21 =	sshll.u32 s5, $0x1;
	s2 =	sadd.s32 s19, s18  }
0x9c: {  	s6 =	simm.s32 $0x0;
	s20 =	sshll.u32 s4, $0x1;
	s4 =	sadd.s32 s21, s2  }
0x9d: {  	[timem:s6], [sflag:s22] =	dma.local [hbm:s4], s20  }
0x9e: {  	_ =	swait.ge [sflag:s22], s20  }
0x9f: {  	s3 =	ssub.s32 $0x0, s20;
	[sflag:s22] =	ssyncset.done $0x0  }
0xa0: {  	[sflag:s22] =	ssyncadd.s32 s3;
	_ =	sdelay $0x1  }
0xa1: {  	s23 =	simm.s32 $0x1B8B  }
0xa2: {  	_ =	swait.ge [sflag:s23], $0x1  }
0xa3: {  	[sflag:s23] =	ssyncset.done $0x0  }
0xa4: {  	s25 =	simm.s32 $0x1B8E;
	s24 =	sld [smem:$0x3FFE];
	[sflag:s23] =	ssyncadd.s32 $0xFFFFFFFF  }
0xa5: {  	s26 =	simm.s32 $execute0_lowered;
	[smem:$0x3FD2] =	sst s25  }
0xa6: {  	s4 =	sshll.u32 s26, $0x1;
	_ =	strace $0x80000049;
	[dreg:$0x1] =	wrdreg $0xFFFFFFFF  }
0xa7: {  	s28 =	simm.s32 $_size_execute0_lowered;
	s2 =	sadd.s32 s2, s4;
	[dreg:$0x0] =	wrdreg $0x0  }
0xa8: {  	s4 =	sshll.u32 s28, $0x1;
	[dreg:$0x2] =	wrdreg s2  }
0xa9: {  	[dreg:$0x3] =	wrdreg s4  }
0xaa: {  	[dreg:$0x4] =	wrdreg $0xC0  }
0xab: {  	_ =	task [dreg:s6], $0x5FFFF  }
0xac: {  	[dreg:$0x1] =	wrdreg $0xFFFFFFFF  }
0xad: {  	[dreg:$0x0] =	wrdreg $0x60  }
0xae: {  	[dreg:$0x2] =	wrdreg s24  }
0xaf: {  	[dreg:$0x3] =	wrdreg $0x90000  }
0xb0: {  	[dreg:$0x4] =	wrdreg $0x9  }
0xb1: {  	_ =	task.clear_ibuf [dreg:s6], $0x5FFFF;
	_ =	strace $0x90000049  }
0xb2: {  	s29 =	simm.s32 $0x9;
	_ =	strace $0x8000004B  }
0xb3: {  	_ =	swait.ge [sflag:s29], $0x1  }
0xb4: {  	[sflag:s29] =	ssyncadd.s32 $0xFFFFFFFF  }
0xb5: {  	_ =	strace $0x9000004B  }
0xb6: {  	_ =	sfence  }
0xb7: {  	s30 =	sld [smem:$0x0];
	_ =	sdelay $0x2  }
0xb8: {  	s31 =	sshll.u32 s1, $0xD;
	s1 =	sshrl.u32 s1, $0x2  }
0xb9: {  	s3 =	sand.u32 $0x4000, s31;
	s1 =	sadd.s32 s1, s30  }
0xba: {  	s0 =	sor.u32 s3, s0;
	s1 =	sshll.u32 s1, $0x11  }
0xbb: {  	s0 =	sor.u32 s1, s0  }
0xbc: {  	s0 =	sadd.s32 $0x8F2B, s0  }
0xbd: {  	[sflag:s0] =	ssyncadd.remote.s32 $0x1  }
0xbe: {  	_ =	sfence.sel $0xFFFF  }
0xbf: {  	[dreg:$0x0] =	wrdreg $0xFFFFFFFF;
	(pc) =	sbr.abs _section_cstart, $3  }
0xc0: {  	[dreg:$0x1] =	wrdreg $0xFFFFFFFF  }
0xc1: {  	_ =	task.clear_ibuf [dreg:s6], $0x2FFFF;
	_ =	strace $0x9FFFFFFF  }
0xc2: {  	(tm) =	ssettm $0x7FFFFFFF  }
0xc3: {  	_ =	shalt  }
tec
execute0_lowered:
.L_overlay_start_1:
0x0: {  	(tag) =	ssettag $0x1  }
0x1: {  	s0 =	srdreg.scid;
	s6 =	rddreg [dreg:$0x0]  }
0x2: {  	s2 =	rddreg [dreg:$0x1];
	s3 =	simm.s32 $0x0;
	s14 =	simm.s32 $0x80  }
0x3: {  	s15 =	simm.s32 $0x5000;
	s5 =	sand.u32 $0x1, s0;
	s0 =	stileid.u32  }
0x4: {  	s16 =	simm.s32 $0x1;
	s17 =	simm.s32 $0x0;
	s8 =	smul.u32 $0x14000, s0  }
0x5: {  	[smem:$0x7FF] =	sst s3;
	s1 =	sshll.u32 s5, $0x4;
	s9 =	smul.u32 $0x140000, s5  }
0x6: {  	s5 =	ssub.s32 $0x2, s5;
	s31 =	smul.u32 $0x50000, s0;
	s12 =	sshll.u32 s0, $0x6  }
0x7: {  	s4 =	sor.u32 s0, s1;
	s1 =	rddreg [dreg:$0x2];
	_ =	strace $0x8000004A  }
0x8: {  	s11 =	sshrl.u32 s5, $0x1;
	s12 =	sor.u32 $0x1C02, s12;
	s7 =	smul.u32 $0x500, s4  }
0x9: {  	s4 =	sadd.s32 $0x34600, s6;
	s10 =	sshrl.u32 s8, $0x3;
	s8 =	sadd.s32 s8, s9  }
0xa: {  	s11 =	ssub.s32 s5, s11;
	s9 =	sshrl.u32 s31, $0x2;
	s10 =	sadd.s32 s10, s6  }
0xb: {  	s8 =	sshrl.u32 s8, $0x3;
	s13 =	sadd.s32 s9, s2;
	s9 =	smax.u32 s11, $0x1  }
0xc: {  	s11 =	simm.s32 $0x2800;
	s7 =	sadd.s32 s7, s6;
	s8 =	sadd.s32 s8, s6  }
0xd: {  	s13 =	sshrl.u32 s13, $0x3;
	s5 =	sadd.s32 $0x84E00, s7;
	s6 =	sadd.s32 $0x2600, s7  }
0xe: {  	s7 =	sadd.s32 $0xC600, s10;
	s8 =	sadd.s32 $0x8EE00, s8;
	s10 =	simm.s32 $0x2  }
.LBB2_1:
0xf: {  	[tilespmem:s3], [sflag:$0x2] =	stream.linear.gather [hbm4b:s5+s3], $0x2800, $0x38;
	[tilespmem:$0x1D000] =	vst v63  }
0x10: {  	_ =	swait.ge [sflag:s10], $0x2800  }
0x11: {  	[sflag:s10] =	ssyncset.done $0x0  }
0x12: {  	[sflag:s10] =	ssyncadd.s32 $0xFFFFD800  }
0x13: {  	[tilespmem:s11], [sflag:$0x2] =	stream.linear.gather [hbm4b:s6+s3], $0x2800, $0x38;
	[tilespmem:$0x1D000] =	vst v63  }
0x14: {  	_ =	swait.ge [sflag:s10], $0x2800  }
0x15: {  	[sflag:s10] =	ssyncset.done $0x0  }
0x16: {  	[sflag:s10] =	ssyncadd.s32 $0xFFFFD800  }
0x17: {  	[spmem:s13], [sflag:s12] =	dma.local [hbm:s7], $0x2800  }
0x18: {  	_ =	swait.ge [sflag:s10], $0x2800  }
0x19: {  	[sflag:s10] =	ssyncset.done $0x0  }
0x1a: {  	[sflag:s10] =	ssyncadd.s32 $0xFFFFD800  }
0x1b: {  	s18 =	simm.s32 $0x0;
	[bflag:$0x0] =	sbarrier.arrive $0xFFFF  }
0x1c: {  	[tilespmem:s15], [sflag:$0x1] =	stream.indirect.gather [hbm4b:s4+s14], $0x80, s18, s14, $0xb8;
	[tilespmem:$0x1D000] =	vst v63  }
0x1d: {  	_ =	swait.ge [sflag:s16], $0x4000  }
0x1e: {  	[sflag:s16] =	ssyncset.done $0x0  }
0x1f: {  	s31 =	simm.s32 $0x2800;
	[sflag:s16] =	ssyncadd.s32 $0xFFFFC000  }
0x20: {  	[spmem:s2] =	stream.indirect.scatter.add.f32 [tilespmem:s15], [sflag:$0x2], $0x80, s31, s14, $0xb8;
	[tilespmem:$0x1D000] =	vst v63  }
0x21: {  	_ =	swait.ge [sflag:s10], $0x4000  }
0x22: {  	s19 =	simm.s32 $0x400;
	s18 =	simm.s32 $0x200;
	[sflag:s10] =	ssyncset.done $0x0  }
.LBB2_2:
0x23: {  	s20 =	sshra.s32 s18, $0x2  }
0x24: {  	[sflag:s10] =	ssyncadd.s32 $0xFFFFC000;
	s18 =	smov.u32 s19;
	s21 =	sadd.s32 $0x200, s19  }
0x25: {  	[tilespmem:s15], [sflag:$0x1] =	stream.indirect.gather [hbm4b:s4+s14], $0x80, s20, s14, $0xb8;
	[tilespmem:$0x1D000] =	vst v63  }
0x26: {  	p0 =	sne.s32 s19, $0x9E00;
	_ =	swait.ge [sflag:s16], $0x4000  }
.Ltmp0:
0x27: {  	[sflag:s16] =	ssyncset.done $0x0;
	(pc) =	sbr.rel @p0 .LBB2_2-.Ltmp0, $4  }
0x28: {  	s19 =	sadd.s32 $0x2800, s20;
	[sflag:s16] =	ssyncadd.s32 $0xFFFFC000  }
0x29: {  	[spmem:s2] =	stream.indirect.scatter.add.f32 [tilespmem:s15], [sflag:$0x2], $0x80, s19, s14, $0xb8;
	[tilespmem:$0x1D000] =	vst v63  }
0x2a: {  	_ =	swait.ge [sflag:s10], $0x4000  }
0x2b: {  	s19 =	smov.u32 s21;
	[sflag:s10] =	ssyncset.done $0x0  }
0x2c: {  	s18 =	sshra.s32 s18, $0x2;
	[sflag:s10] =	ssyncadd.s32 $0xFFFFC000  }
0x2d: {  	[tilespmem:s15], [sflag:$0x1] =	stream.indirect.gather [hbm4b:s4+s14], $0x80, s18, s14, $0xb8;
	[tilespmem:$0x1D000] =	vst v63  }
0x2e: {  	_ =	swait.ge [sflag:s16], $0x4000  }
0x2f: {  	[sflag:s16] =	ssyncset.done $0x0  }
0x30: {  	s18 =	sadd.s32 $0x2800, s18;
	[sflag:s16] =	ssyncadd.s32 $0xFFFFC000  }
0x31: {  	[spmem:s2] =	stream.indirect.scatter.add.f32 [tilespmem:s15], [sflag:$0x2], $0x80, s18, s14, $0xb8;
	[tilespmem:$0x1D000] =	vst v63  }
0x32: {  	_ =	swait.ge [sflag:s10], $0x4000  }
0x33: {  	s17 =	sadd.s32 $0x1, s17;
	[sflag:s10] =	ssyncset.done $0x0  }
0x34: {  	p0 =	sne.s32 s17, s9;
	[sflag:s10] =	ssyncadd.s32 $0xFFFFC000  }
.Ltmp1:
0x35: {  	[bflag:$0x0] =	sbarrier.arrive $0xFFFF;
	(pc) =	sbr.rel @p0 .LBB2_1-.Ltmp1, $4  }
0x36: {  	[hbm:s8], [sflag:s12] =	dma.local [spmem:s13], $0x2800  }
0x37: {  	_ =	swait.ge [sflag:s10], $0x2800  }
0x38: {  	[sflag:s10] =	ssyncset.done $0x0  }
0x39: {  	[sflag:s10] =	ssyncadd.s32 $0xFFFFD800  }
0x3a: {  	_ =	sfence.sel $0x180000  }
0x3b: {  	[bflag:$0x0] =	sbarrier.arrive $0xFFFF  }
0x3c: {  	p0 =	sne.s32 s0, $0x0;
	_ =	strace $0x9000004A  }
0x3d: {  	s0 =	sadd.s32 @!p0 $0x100000, s1;
	[bflag:$0x2] =	sbarrier.arrive $0xFFFF  }
0x3e: {  	[sflag:s0] =	ssyncadd.tile.s32 @!p0 $0x1;
	_ =	shalt  }
.Lfunc_end2:
_tile_overlayer_lowered:
.L_overlay_start_2:
0x3f: {  	(tag) =	ssettag $0x2  }
0x40: {  	s0 =	rddreg [dreg:$0x0];
	s2 =	stileid.u32  }
0x41: {  	s1 =	rddreg [dreg:$0x1];
	p0 =	sne.s32 s2, $0x0  }
0x42: {  	s3 =	rddreg [dreg:$0x2];
	[bflag:$0x3] =	sbarrier.arrive $0xFFFF;
	s2 =	simm.s32 @!p0 $0x1C02  }
0x43: {  	[timem:s3], [sflag:s2] =	dma.local @!p0 [hbm:s0], s1  }
0x44: {  	s0 =	simm.s32 @!p0 $0x2  }
0x45: {  	_ =	swait.ge @!p0 [sflag:s0], s1  }
0x46: {  	s1 =	ssub.s32 @!p0 $0x0, s1;
	[sflag:s0] =	ssyncset.done @!p0 $0x0  }
0x47: {  	[sflag:s0] =	ssyncadd.s32 @!p0 s1  }
0x48: {  	[bflag:$0x3] =	sbarrier.arrive $0xFFFF  }
0x49: {  	_ =	shalt  }

// kernel: kernel.14.cloned.1.call-start
scs
__scs_entry_jumppad:
0x0: {  	(pc) =	sbr.rel $0x88, $3  }
0x1: {  	(tag) =	ssettag $0x0;
	lr =	simm.s32 $0x1  }
0x2: {  	[smem:$0x3F9B] =	sst lr;
	_ =	strace $0xD0000000  }
0x3: {  	_ = 	snop  }
0x4: {  	_ = 	snop  }
0x5: {  	_ = 	snop  }
0x6: {  	_ = 	snop  }
0x7: {  	_ = 	snop  }
__scs_overlays_trampoline_lowered:
0x8: {  	[smem:$0x3FAA] =	sst s0  }
0x9: {  	[smem:$0x3FAB] =	sst s1  }
0xa: {  	[smem:$0x3FAC] =	sst s2  }
0xb: {  	[smem:$0x3FAD] =	sst s3  }
0xc: {  	[smem:$0x3FAE] =	sst s4  }
0xd: {  	[smem:$0x3FAF] =	sst s5  }
0xe: {  	[smem:$0x3FB0] =	sst s6  }
0xf: {  	[smem:$0x3FB1] =	sst s7  }
0x10: {  	[smem:$0x3FB2] =	sst s8  }
0x11: {  	[smem:$0x3FB3] =	sst s9;
	s0 =	simm.s32 @!p0 $0x0  }
0x12: {  	s1 =	sld [smem:$0x3F99];
	s0 =	simm.s32 @p0 $0x1  }
0x13: {  	[smem:$0x3FB4] =	sst s0;
	s0 =	simm.s32 @!p1 $0x0  }
0x14: {  	s2 =	sld [smem:$0x3F98];
	s0 =	simm.s32 @p1 $0x1  }
0x15: {  	[smem:$0x3FB5] =	sst s0;
	s0 =	simm.s32 @!p2 $0x0  }
0x16: {  	s3 =	sld [smem:$0x3FDB];
	s0 =	simm.s32 @p2 $0x1  }
0x17: {  	s4 =	simm.s32 $0x1BF5;
	[smem:$0x3FB7] =	sst s0  }
0x18: {  	s0 =	sld [smem:$0x3F9A];
	_ =	swait.ge [sflag:s4], $0x0  }
0x19: {  	s7 =	sld [smem:$0x3F9B]  }
0x1a: {  	s8 =	sadd.s32 $0xFFFFE003, lr  }
0x1b: {  	s9 =	sadd.s32 $0xFFFFFEF7, lr;
	s5 =	simm.s32 $0xFFFFFFFF;
	p2 =	slt.u32 s8, $0xFFFFF086  }
0x1c: {  	p1 =	slt.u32 s9, $0xF7A;
	s5 =	simm.s32 @!p2 $0x0  }
0x1d: {  	s5 =	simm.s32 @p1 $0x1;
	p0 =	seq.s32 s7, s2  }
0x1e: {  	s7 =	smul.u32 @!p0 $0xF7A, s2;
	p2 =	seq.s32 @!p0 s5, $0x0  }
0x1f: {  	s9 =	smul.u32 $0xF7A, s1;
	s8 =	simm.s32 @!p0 $0x1BF5;
	p2 =	por !p2, p0  }
0x20: {  	[sflag:s8] =	ssyncset.s32 @!p0 $0xFFFFF086;
	s6 =	sadd.s32 @!p0 s3, s7;
	s7 =	simm.s32 @!p0 $0x108  }
0x21: {  	s3 =	sadd.s32 s3, s9;
	s6 =	sadd.s32 @!p0 $0x88, s6;
	s7 =	simm.s32 @p2 $0x1082  }
0x22: {  	[simem:s7], [sflag:s8] =	dma.local @!p0 [hbm:s6], $0xF7A  }
0x23: {  	s9 =	sor.u32 $0xD0000000, s2;
	s6 =	simm.s32 $0x108;
	_ =	swait.ge @!p0 [sflag:s8], $0x0  }
0x24: {  	s3 =	sadd.s32 $0x88, s3;
	s6 =	simm.s32 @!p1 $0x1082;
	[sflag:s4] =	ssyncset.s32 $0xFFFFF086  }
0x25: {  	[simem:s6], [sflag:s4] =	dma.local [hbm:s3], $0xF7A  }
0x26: {  	[smem:$0x3F9B] =	sst s1;
	(tag) =	ssettag s2;
	_ =	strace s9  }
0x27: {  	s1 =	sld [smem:$0x3FAB]  }
0x28: {  	s2 =	sld [smem:$0x3FAC]  }
0x29: {  	s4 =	sld [smem:$0x3FAE]  }
0x2a: {  	p0 =	seq.s32 s5, $0x0;
	s5 =	sld [smem:$0x3FAF]  }
0x2b: {  	s6 =	sld [smem:$0x3FB0]  }
0x2c: {  	s7 =	sld [smem:$0x3FB1]  }
0x2d: {  	s3 =	simm.s32 $0x108;
	s8 =	sld [smem:$0x3FB2]  }
0x2e: {  	s3 =	simm.s32 @!p0 $0x1082;
	s9 =	sld [smem:$0x3FB3]  }
0x2f: {  	lr =	sadd.s32 s0, s3;
	s0 =	sld [smem:$0x3FAA]  }
0x30: {  	s3 =	sld [smem:$0x3FAD]  }
0x31: {  	[smem:$0x3FB6] =	sst s10  }
0x32: {  	s10 =	sld [smem:$0x3FB4];
	_ =	sdelay $0x3  }
0x33: {  	p0 =	seq.s32 s10, $0x1;
	s10 =	sld [smem:$0x3FB6];
	_ =	sdelay $0x3  }
0x34: {  	[smem:$0x3FB6] =	sst s10  }
0x35: {  	s10 =	sld [smem:$0x3FB5];
	_ =	sdelay $0x3  }
0x36: {  	p1 =	seq.s32 s10, $0x1;
	s10 =	sld [smem:$0x3FB6];
	_ =	sdelay $0x3  }
0x37: {  	[smem:$0x3FB6] =	sst s10  }
0x38: {  	s10 =	sld [smem:$0x3FB7]  }
0x39: {  	_ = 	snop;
	(pc) =	sbr.ind lr, $3  }
0x3a: {  	_ = 	snop  }
0x3b: {  	_ = 	snop  }
0x3c: {  	p2 =	seq.s32 s10, $0x1;
	s10 =	sld [smem:$0x3FB6]  }
0x3d: {  	_ =	shalt  }
0x3e: {  	_ =	shalt  }
0x3f: {  	_ =	shalt  }
0x40: {  	_ =	shalt  }
0x41: {  	_ =	shalt  }
0x42: {  	_ =	shalt  }
0x43: {  	_ =	shalt  }
0x44: {  	_ =	shalt  }
0x45: {  	_ =	shalt  }
0x46: {  	_ =	shalt  }
0x47: {  	_ =	shalt  }
0x48: {  	_ =	shalt  }
0x49: {  	_ =	shalt  }
0x4a: {  	_ =	shalt  }
0x4b: {  	_ =	shalt  }
0x4c: {  	_ =	shalt  }
0x4d: {  	_ =	shalt  }
0x4e: {  	_ =	shalt  }
0x4f: {  	_ =	shalt  }
0x50: {  	_ =	shalt  }
0x51: {  	_ =	shalt  }
0x52: {  	_ =	shalt  }
0x53: {  	_ =	shalt  }
0x54: {  	_ =	shalt  }
0x55: {  	_ =	shalt  }
0x56: {  	_ =	shalt  }
0x57: {  	_ =	shalt  }
0x58: {  	_ =	shalt  }
0x59: {  	_ =	shalt  }
0x5a: {  	_ =	shalt  }
0x5b: {  	_ =	shalt  }
0x5c: {  	_ =	shalt  }
0x5d: {  	_ =	shalt  }
0x5e: {  	_ =	shalt  }
0x5f: {  	_ =	shalt  }
0x60: {  	_ =	shalt  }
0x61: {  	_ =	shalt  }
0x62: {  	_ =	shalt  }
0x63: {  	_ =	shalt  }
0x64: {  	_ =	shalt  }
0x65: {  	_ =	shalt  }
0x66: {  	_ =	shalt  }
0x67: {  	_ =	shalt  }
0x68: {  	_ =	shalt  }
0x69: {  	_ =	shalt  }
0x6a: {  	_ =	shalt  }
0x6b: {  	_ =	shalt  }
0x6c: {  	_ =	shalt  }
0x6d: {  	_ =	shalt  }
0x6e: {  	_ =	shalt  }
0x6f: {  	_ =	shalt  }
0x70: {  	_ =	shalt  }
0x71: {  	_ =	shalt  }
0x72: {  	_ =	shalt  }
0x73: {  	_ =	shalt  }
0x74: {  	_ =	shalt  }
0x75: {  	_ =	shalt  }
0x76: {  	_ =	shalt  }
0x77: {  	_ =	shalt  }
0x78: {  	_ =	shalt  }
0x79: {  	_ =	shalt  }
0x7a: {  	_ =	shalt  }
0x7b: {  	_ =	shalt  }
0x7c: {  	_ =	shalt  }
0x7d: {  	_ =	shalt  }
0x7e: {  	_ =	shalt  }
0x7f: {  	_ =	shalt  }
0x80: {  	_ =	shalt  }
0x81: {  	_ =	shalt  }
0x82: {  	_ =	shalt  }
0x83: {  	_ =	shalt  }
0x84: {  	_ =	shalt  }
0x85: {  	_ =	shalt  }
0x86: {  	_ =	shalt  }
0x87: {  	_ =	shalt  }
.Lfunc_end0:
.L_simem_size_0:
called_computation.2_lowered:
.L_overlay_start_0:
0x88: {  	s2 =	sld [smem:$0x3FD9]  }
0x89: {  	s3 =	sld [smem:$0x3FFE];
	_ =	sdelay $0x1  }
0x8a: {  	s1 =	srdreg.scid  }
0x8b: {  	s0 =	sand.u32 $0x1, s1  }
0x8c: {  	s16 =	sshll.u32 s0, $0xA;
	s2 =	sadd.s32 s3, s2  }
0x8d: {  	s2 =	sadd.s32 s2, s16  }
0x8e: {  	[smem:$0x3FC2] =	sst s2  }
0x8f: {  	_ = 	snop  }
0x90: {  	(tm) =	ssettm $0x1  }
0x91: {  	s17 =	sld [smem:$0x3FFB];
	_ =	sdelay $0x3  }
0x92: {  	_ =	strace s17  }
0x93: {  	s2 =	sld [smem:$0x3FFC];
	_ =	sdelay $0x3  }
0x94: {  	_ =	strace s2  }
0x95: {  	s2 =	sld [smem:$0x3FFD];
	_ =	sdelay $0x3  }
0x96: {  	_ =	strace s2  }
0x97: {  	_ =	strace $0x8FFFFFFF  }
0x98: {  	s18 =	sld [smem:$0x3FDB];
	_ =	sdelay $0x1  }
0x99: {  	s19 =	simm.s32 $_scs_section_size  }
0x9a: {  	s4 =	simm.s32 $_size__tile_overlayer_lowered;
	s5 =	simm.s32 $_tile_overlayer_lowered  }
0x9b: {  	s22 =	simm.s32 $0x1BFF;
	s21 =	sshll.u32 s5, $0x1;
	s2 =	sadd.s32 s19, s18  }
0x9c: {  	s6 =	simm.s32 $0x0;
	s20 =	sshll.u32 s4, $0x1;
	s4 =	sadd.s32 s21, s2  }
0x9d: {  	[timem:s6], [sflag:s22] =	dma.local [hbm:s4], s20  }
0x9e: {  	_ =	swait.ge [sflag:s22], s20  }
0x9f: {  	s3 =	ssub.s32 $0x0, s20;
	[sflag:s22] =	ssyncset.done $0x0  }
0xa0: {  	[sflag:s22] =	ssyncadd.s32 s3;
	_ =	sdelay $0x1  }
0xa1: {  	s23 =	simm.s32 $0x1B8B  }
0xa2: {  	_ =	swait.ge [sflag:s23], $0x1  }
0xa3: {  	[sflag:s23] =	ssyncset.done $0x0  }
0xa4: {  	s25 =	simm.s32 $0x1B8E;
	s24 =	sld [smem:$0x3FFE];
	[sflag:s23] =	ssyncadd.s32 $0xFFFFFFFF  }
0xa5: {  	s26 =	simm.s32 $execute0_lowered;
	[smem:$0x3FD2] =	sst s25  }
0xa6: {  	s4 =	sshll.u32 s26, $0x1;
	_ =	strace $0x8000004C;
	[dreg:$0x1] =	wrdreg $0xFFFFFFFF  }
0xa7: {  	s28 =	simm.s32 $_size_execute0_lowered;
	s2 =	sadd.s32 s2, s4;
	[dreg:$0x0] =	wrdreg $0x0  }
0xa8: {  	s4 =	sshll.u32 s28, $0x1;
	[dreg:$0x2] =	wrdreg s2  }
0xa9: {  	[dreg:$0x3] =	wrdreg s4  }
0xaa: {  	[dreg:$0x4] =	wrdreg $0xC0  }
0xab: {  	_ =	task [dreg:s6], $0x5FFFF  }
0xac: {  	[dreg:$0x1] =	wrdreg $0xFFFFFFFF  }
0xad: {  	[dreg:$0x0] =	wrdreg $0x60  }
0xae: {  	[dreg:$0x2] =	wrdreg s24  }
0xaf: {  	[dreg:$0x3] =	wrdreg $0x90000  }
0xb0: {  	[dreg:$0x4] =	wrdreg $0x9  }
0xb1: {  	_ =	task.clear_ibuf [dreg:s6], $0x5FFFF;
	_ =	strace $0x9000004C  }
0xb2: {  	s29 =	simm.s32 $0x9;
	_ =	strace $0x8000004E  }
0xb3: {  	_ =	swait.ge [sflag:s29], $0x1  }
0xb4: {  	[sflag:s29] =	ssyncadd.s32 $0xFFFFFFFF  }
0xb5: {  	_ =	strace $0x9000004E  }
0xb6: {  	_ =	sfence  }
0xb7: {  	s30 =	sld [smem:$0x0];
	_ =	sdelay $0x2  }
0xb8: {  	s31 =	sshll.u32 s1, $0xD;
	s1 =	sshrl.u32 s1, $0x2  }
0xb9: {  	s3 =	sand.u32 $0x4000, s31;
	s1 =	sadd.s32 s1, s30  }
0xba: {  	s0 =	sor.u32 s3, s0;
	s1 =	sshll.u32 s1, $0x11  }
0xbb: {  	s0 =	sor.u32 s1, s0  }
0xbc: {  	s0 =	sadd.s32 $0x8F2B, s0  }
0xbd: {  	[sflag:s0] =	ssyncadd.remote.s32 $0x1  }
0xbe: {  	_ =	sfence.sel $0xFFFF  }
0xbf: {  	[dreg:$0x0] =	wrdreg $0xFFFFFFFF;
	(pc) =	sbr.abs _section_cstart, $3  }
0xc0: {  	[dreg:$0x1] =	wrdreg $0xFFFFFFFF  }
0xc1: {  	_ =	task.clear_ibuf [dreg:s6], $0x2FFFF;
	_ =	strace $0x9FFFFFFF  }
0xc2: {  	(tm) =	ssettm $0x7FFFFFFF  }
0xc3: {  	_ =	shalt  }
tec
execute0_lowered:
.L_overlay_start_1:
0x0: {  	(tag) =	ssettag $0x1  }
0x1: {  	s0 =	srdreg.scid;
	s6 =	rddreg [dreg:$0x0]  }
0x2: {  	s2 =	rddreg [dreg:$0x1];
	s3 =	simm.s32 $0x0;
	s14 =	simm.s32 $0x80  }
0x3: {  	s15 =	simm.s32 $0x5000;
	s5 =	sand.u32 $0x1, s0;
	s0 =	stileid.u32  }
0x4: {  	s16 =	simm.s32 $0x1;
	s17 =	simm.s32 $0x0;
	s8 =	smul.u32 $0x14000, s0  }
0x5: {  	[smem:$0x7FF] =	sst s3;
	s1 =	sshll.u32 s5, $0x4;
	s9 =	smul.u32 $0x140000, s5  }
0x6: {  	s5 =	ssub.s32 $0x2, s5;
	s31 =	smul.u32 $0x50000, s0;
	s12 =	sshll.u32 s0, $0x6  }
0x7: {  	s4 =	sor.u32 s0, s1;
	s1 =	rddreg [dreg:$0x2];
	_ =	strace $0x8000004D  }
0x8: {  	s11 =	sshrl.u32 s5, $0x1;
	s12 =	sor.u32 $0x1C02, s12;
	s7 =	smul.u32 $0x500, s4  }
0x9: {  	s4 =	sadd.s32 $0x34600, s6;
	s10 =	sshrl.u32 s8, $0x3;
	s8 =	sadd.s32 s8, s9  }
0xa: {  	s11 =	ssub.s32 s5, s11;
	s9 =	sshrl.u32 s31, $0x2;
	s10 =	sadd.s32 s10, s6  }
0xb: {  	s8 =	sshrl.u32 s8, $0x3;
	s13 =	sadd.s32 s9, s2;
	s9 =	smax.u32 s11, $0x1  }
0xc: {  	s11 =	simm.s32 $0x2800;
	s7 =	sadd.s32 s7, s6;
	s8 =	sadd.s32 s8, s6  }
0xd: {  	s13 =	sshrl.u32 s13, $0x3;
	s5 =	sadd.s32 $0x84E00, s7;
	s6 =	sadd.s32 $0x2600, s7  }
0xe: {  	s7 =	sadd.s32 $0xC600, s10;
	s8 =	sadd.s32 $0x8EE00, s8;
	s10 =	simm.s32 $0x2  }
.LBB2_1:
0xf: {  	[tilespmem:s3], [sflag:$0x2] =	stream.linear.gather [hbm4b:s5+s3], $0x2800, $0x38;
	[tilespmem:$0x1D000] =	vst v63  }
0x10: {  	_ =	swait.ge [sflag:s10], $0x2800  }
0x11: {  	[sflag:s10] =	ssyncset.done $0x0  }
0x12: {  	[sflag:s10] =	ssyncadd.s32 $0xFFFFD800  }
0x13: {  	[tilespmem:s11], [sflag:$0x2] =	stream.linear.gather [hbm4b:s6+s3], $0x2800, $0x38;
	[tilespmem:$0x1D000] =	vst v63  }
0x14: {  	_ =	swait.ge [sflag:s10], $0x2800  }
0x15: {  	[sflag:s10] =	ssyncset.done $0x0  }
0x16: {  	[sflag:s10] =	ssyncadd.s32 $0xFFFFD800  }
0x17: {  	[spmem:s13], [sflag:s12] =	dma.local [hbm:s7], $0x2800  }
0x18: {  	_ =	swait.ge [sflag:s10], $0x2800  }
0x19: {  	[sflag:s10] =	ssyncset.done $0x0  }
0x1a: {  	[sflag:s10] =	ssyncadd.s32 $0xFFFFD800  }
0x1b: {  	s18 =	simm.s32 $0x0;
	[bflag:$0x0] =	sbarrier.arrive $0xFFFF  }
0x1c: {  	[tilespmem:s15], [sflag:$0x1] =	stream.indirect.gather [hbm4b:s4+s14], $0x80, s18, s14, $0xb8;
	[tilespmem:$0x1D000] =	vst v63  }
0x1d: {  	_ =	swait.ge [sflag:s16], $0x4000  }
0x1e: {  	[sflag:s16] =	ssyncset.done $0x0  }
0x1f: {  	s31 =	simm.s32 $0x2800;
	[sflag:s16] =	ssyncadd.s32 $0xFFFFC000  }
0x20: {  	[spmem:s2] =	stream.indirect.scatter.add.f32 [tilespmem:s15], [sflag:$0x2], $0x80, s31, s14, $0xb8;
	[tilespmem:$0x1D000] =	vst v63  }
0x21: {  	_ =	swait.ge [sflag:s10], $0x4000  }
0x22: {  	s19 =	simm.s32 $0x400;
	s18 =	simm.s32 $0x200;
	[sflag:s10] =	ssyncset.done $0x0  }
.LBB2_2:
0x23: {  	s20 =	sshra.s32 s18, $0x2  }
0x24: {  	[sflag:s10] =	ssyncadd.s32 $0xFFFFC000;
	s18 =	smov.u32 s19;
	s21 =	sadd.s32 $0x200, s19  }
0x25: {  	[tilespmem:s15], [sflag:$0x1] =	stream.indirect.gather [hbm4b:s4+s14], $0x80, s20, s14, $0xb8;
	[tilespmem:$0x1D000] =	vst v63  }
0x26: {  	p0 =	sne.s32 s19, $0x9E00;
	_ =	swait.ge [sflag:s16], $0x4000  }
.Ltmp0:
0x27: {  	[sflag:s16] =	ssyncset.done $0x0;
	(pc) =	sbr.rel @p0 .LBB2_2-.Ltmp0, $4  }
0x28: {  	s19 =	sadd.s32 $0x2800, s20;
	[sflag:s16] =	ssyncadd.s32 $0xFFFFC000  }
0x29: {  	[spmem:s2] =	stream.indirect.scatter.add.f32 [tilespmem:s15], [sflag:$0x2], $0x80, s19, s14, $0xb8;
	[tilespmem:$0x1D000] =	vst v63  }
0x2a: {  	_ =	swait.ge [sflag:s10], $0x4000  }
0x2b: {  	s19 =	smov.u32 s21;
	[sflag:s10] =	ssyncset.done $0x0  }
0x2c: {  	s18 =	sshra.s32 s18, $0x2;
	[sflag:s10] =	ssyncadd.s32 $0xFFFFC000  }
0x2d: {  	[tilespmem:s15], [sflag:$0x1] =	stream.indirect.gather [hbm4b:s4+s14], $0x80, s18, s14, $0xb8;
	[tilespmem:$0x1D000] =	vst v63  }
0x2e: {  	_ =	swait.ge [sflag:s16], $0x4000  }
0x2f: {  	[sflag:s16] =	ssyncset.done $0x0  }
0x30: {  	s18 =	sadd.s32 $0x2800, s18;
	[sflag:s16] =	ssyncadd.s32 $0xFFFFC000  }
0x31: {  	[spmem:s2] =	stream.indirect.scatter.add.f32 [tilespmem:s15], [sflag:$0x2], $0x80, s18, s14, $0xb8;
	[tilespmem:$0x1D000] =	vst v63  }
0x32: {  	_ =	swait.ge [sflag:s10], $0x4000  }
0x33: {  	s17 =	sadd.s32 $0x1, s17;
	[sflag:s10] =	ssyncset.done $0x0  }
0x34: {  	p0 =	sne.s32 s17, s9;
	[sflag:s10] =	ssyncadd.s32 $0xFFFFC000  }
.Ltmp1:
0x35: {  	[bflag:$0x0] =	sbarrier.arrive $0xFFFF;
	(pc) =	sbr.rel @p0 .LBB2_1-.Ltmp1, $4  }
0x36: {  	[hbm:s8], [sflag:s12] =	dma.local [spmem:s13], $0x2800  }
0x37: {  	_ =	swait.ge [sflag:s10], $0x2800  }
0x38: {  	[sflag:s10] =	ssyncset.done $0x0  }
0x39: {  	[sflag:s10] =	ssyncadd.s32 $0xFFFFD800  }
0x3a: {  	_ =	sfence.sel $0x180000  }
0x3b: {  	[bflag:$0x0] =	sbarrier.arrive $0xFFFF  }
0x3c: {  	p0 =	sne.s32 s0, $0x0;
	_ =	strace $0x9000004D  }
0x3d: {  	s0 =	sadd.s32 @!p0 $0x100000, s1;
	[bflag:$0x2] =	sbarrier.arrive $0xFFFF  }
0x3e: {  	[sflag:s0] =	ssyncadd.tile.s32 @!p0 $0x1;
	_ =	shalt  }
.Lfunc_end2:
_tile_overlayer_lowered:
.L_overlay_start_2:
0x3f: {  	(tag) =	ssettag $0x2  }
0x40: {  	s0 =	rddreg [dreg:$0x0];
	s2 =	stileid.u32  }
0x41: {  	s1 =	rddreg [dreg:$0x1];
	p0 =	sne.s32 s2, $0x0  }
0x42: {  	s3 =	rddreg [dreg:$0x2];
	[bflag:$0x3] =	sbarrier.arrive $0xFFFF;
	s2 =	simm.s32 @!p0 $0x1C02  }
0x43: {  	[timem:s3], [sflag:s2] =	dma.local @!p0 [hbm:s0], s1  }
0x44: {  	s0 =	simm.s32 @!p0 $0x2  }
0x45: {  	_ =	swait.ge @!p0 [sflag:s0], s1  }
0x46: {  	s1 =	ssub.s32 @!p0 $0x0, s1;
	[sflag:s0] =	ssyncset.done @!p0 $0x0  }
0x47: {  	[sflag:s0] =	ssyncadd.s32 @!p0 s1  }
0x48: {  	[bflag:$0x3] =	sbarrier.arrive $0xFFFF  }
0x49: {  	_ =	shalt  }

// kernel: kernel.8.cloned.1.call-start
scs
__scs_entry_jumppad:
0x0: {  	(pc) =	sbr.rel $0x88, $3  }
0x1: {  	(tag) =	ssettag $0x0;
	lr =	simm.s32 $0x1  }
0x2: {  	[smem:$0x3F9B] =	sst lr;
	_ =	strace $0xD0000000  }
0x3: {  	_ = 	snop  }
0x4: {  	_ = 	snop  }
0x5: {  	_ = 	snop  }
0x6: {  	_ = 	snop  }
0x7: {  	_ = 	snop  }
__scs_overlays_trampoline_lowered:
0x8: {  	[smem:$0x3FAA] =	sst s0  }
0x9: {  	[smem:$0x3FAB] =	sst s1  }
0xa: {  	[smem:$0x3FAC] =	sst s2  }
0xb: {  	[smem:$0x3FAD] =	sst s3  }
0xc: {  	[smem:$0x3FAE] =	sst s4  }
0xd: {  	[smem:$0x3FAF] =	sst s5  }
0xe: {  	[smem:$0x3FB0] =	sst s6  }
0xf: {  	[smem:$0x3FB1] =	sst s7  }
0x10: {  	[smem:$0x3FB2] =	sst s8  }
0x11: {  	[smem:$0x3FB3] =	sst s9;
	s0 =	simm.s32 @!p0 $0x0  }
0x12: {  	s1 =	sld [smem:$0x3F99];
	s0 =	simm.s32 @p0 $0x1  }
0x13: {  	[smem:$0x3FB4] =	sst s0;
	s0 =	simm.s32 @!p1 $0x0  }
0x14: {  	s2 =	sld [smem:$0x3F98];
	s0 =	simm.s32 @p1 $0x1  }
0x15: {  	[smem:$0x3FB5] =	sst s0;
	s0 =	simm.s32 @!p2 $0x0  }
0x16: {  	s3 =	sld [smem:$0x3FDB];
	s0 =	simm.s32 @p2 $0x1  }
0x17: {  	s4 =	simm.s32 $0x1BF5;
	[smem:$0x3FB7] =	sst s0  }
0x18: {  	s0 =	sld [smem:$0x3F9A];
	_ =	swait.ge [sflag:s4], $0x0  }
0x19: {  	s7 =	sld [smem:$0x3F9B]  }
0x1a: {  	s8 =	sadd.s32 $0xFFFFE003, lr  }
0x1b: {  	s9 =	sadd.s32 $0xFFFFFEF7, lr;
	s5 =	simm.s32 $0xFFFFFFFF;
	p2 =	slt.u32 s8, $0xFFFFF086  }
0x1c: {  	p1 =	slt.u32 s9, $0xF7A;
	s5 =	simm.s32 @!p2 $0x0  }
0x1d: {  	s5 =	simm.s32 @p1 $0x1;
	p0 =	seq.s32 s7, s2  }
0x1e: {  	s7 =	smul.u32 @!p0 $0xF7A, s2;
	p2 =	seq.s32 @!p0 s5, $0x0  }
0x1f: {  	s9 =	smul.u32 $0xF7A, s1;
	s8 =	simm.s32 @!p0 $0x1BF5;
	p2 =	por !p2, p0  }
0x20: {  	[sflag:s8] =	ssyncset.s32 @!p0 $0xFFFFF086;
	s6 =	sadd.s32 @!p0 s3, s7;
	s7 =	simm.s32 @!p0 $0x108  }
0x21: {  	s3 =	sadd.s32 s3, s9;
	s6 =	sadd.s32 @!p0 $0x88, s6;
	s7 =	simm.s32 @p2 $0x1082  }
0x22: {  	[simem:s7], [sflag:s8] =	dma.local @!p0 [hbm:s6], $0xF7A  }
0x23: {  	s9 =	sor.u32 $0xD0000000, s2;
	s6 =	simm.s32 $0x108;
	_ =	swait.ge @!p0 [sflag:s8], $0x0  }
0x24: {  	s3 =	sadd.s32 $0x88, s3;
	s6 =	simm.s32 @!p1 $0x1082;
	[sflag:s4] =	ssyncset.s32 $0xFFFFF086  }
0x25: {  	[simem:s6], [sflag:s4] =	dma.local [hbm:s3], $0xF7A  }
0x26: {  	[smem:$0x3F9B] =	sst s1;
	(tag) =	ssettag s2;
	_ =	strace s9  }
0x27: {  	s1 =	sld [smem:$0x3FAB]  }
0x28: {  	s2 =	sld [smem:$0x3FAC]  }
0x29: {  	s4 =	sld [smem:$0x3FAE]  }
0x2a: {  	p0 =	seq.s32 s5, $0x0;
	s5 =	sld [smem:$0x3FAF]  }
0x2b: {  	s6 =	sld [smem:$0x3FB0]  }
0x2c: {  	s7 =	sld [smem:$0x3FB1]  }
0x2d: {  	s3 =	simm.s32 $0x108;
	s8 =	sld [smem:$0x3FB2]  }
0x2e: {  	s3 =	simm.s32 @!p0 $0x1082;
	s9 =	sld [smem:$0x3FB3]  }
0x2f: {  	lr =	sadd.s32 s0, s3;
	s0 =	sld [smem:$0x3FAA]  }
0x30: {  	s3 =	sld [smem:$0x3FAD]  }
0x31: {  	[smem:$0x3FB6] =	sst s10  }
0x32: {  	s10 =	sld [smem:$0x3FB4];
	_ =	sdelay $0x3  }
0x33: {  	p0 =	seq.s32 s10, $0x1;
	s10 =	sld [smem:$0x3FB6];
	_ =	sdelay $0x3  }
0x34: {  	[smem:$0x3FB6] =	sst s10  }
0x35: {  	s10 =	sld [smem:$0x3FB5];
	_ =	sdelay $0x3  }
0x36: {  	p1 =	seq.s32 s10, $0x1;
	s10 =	sld [smem:$0x3FB6];
	_ =	sdelay $0x3  }
0x37: {  	[smem:$0x3FB6] =	sst s10  }
0x38: {  	s10 =	sld [smem:$0x3FB7]  }
0x39: {  	_ = 	snop;
	(pc) =	sbr.ind lr, $3  }
0x3a: {  	_ = 	snop  }
0x3b: {  	_ = 	snop  }
0x3c: {  	p2 =	seq.s32 s10, $0x1;
	s10 =	sld [smem:$0x3FB6]  }
0x3d: {  	_ =	shalt  }
0x3e: {  	_ =	shalt  }
0x3f: {  	_ =	shalt  }
0x40: {  	_ =	shalt  }
0x41: {  	_ =	shalt  }
0x42: {  	_ =	shalt  }
0x43: {  	_ =	shalt  }
0x44: {  	_ =	shalt  }
0x45: {  	_ =	shalt  }
0x46: {  	_ =	shalt  }
0x47: {  	_ =	shalt  }
0x48: {  	_ =	shalt  }
0x49: {  	_ =	shalt  }
0x4a: {  	_ =	shalt  }
0x4b: {  	_ =	shalt  }
0x4c: {  	_ =	shalt  }
0x4d: {  	_ =	shalt  }
0x4e: {  	_ =	shalt  }
0x4f: {  	_ =	shalt  }
0x50: {  	_ =	shalt  }
0x51: {  	_ =	shalt  }
0x52: {  	_ =	shalt  }
0x53: {  	_ =	shalt  }
0x54: {  	_ =	shalt  }
0x55: {  	_ =	shalt  }
0x56: {  	_ =	shalt  }
0x57: {  	_ =	shalt  }
0x58: {  	_ =	shalt  }
0x59: {  	_ =	shalt  }
0x5a: {  	_ =	shalt  }
0x5b: {  	_ =	shalt  }
0x5c: {  	_ =	shalt  }
0x5d: {  	_ =	shalt  }
0x5e: {  	_ =	shalt  }
0x5f: {  	_ =	shalt  }
0x60: {  	_ =	shalt  }
0x61: {  	_ =	shalt  }
0x62: {  	_ =	shalt  }
0x63: {  	_ =	shalt  }
0x64: {  	_ =	shalt  }
0x65: {  	_ =	shalt  }
0x66: {  	_ =	shalt  }
0x67: {  	_ =	shalt  }
0x68: {  	_ =	shalt  }
0x69: {  	_ =	shalt  }
0x6a: {  	_ =	shalt  }
0x6b: {  	_ =	shalt  }
0x6c: {  	_ =	shalt  }
0x6d: {  	_ =	shalt  }
0x6e: {  	_ =	shalt  }
0x6f: {  	_ =	shalt  }
0x70: {  	_ =	shalt  }
0x71: {  	_ =	shalt  }
0x72: {  	_ =	shalt  }
0x73: {  	_ =	shalt  }
0x74: {  	_ =	shalt  }
0x75: {  	_ =	shalt  }
0x76: {  	_ =	shalt  }
0x77: {  	_ =	shalt  }
0x78: {  	_ =	shalt  }
0x79: {  	_ =	shalt  }
0x7a: {  	_ =	shalt  }
0x7b: {  	_ =	shalt  }
0x7c: {  	_ =	shalt  }
0x7d: {  	_ =	shalt  }
0x7e: {  	_ =	shalt  }
0x7f: {  	_ =	shalt  }
0x80: {  	_ =	shalt  }
0x81: {  	_ =	shalt  }
0x82: {  	_ =	shalt  }
0x83: {  	_ =	shalt  }
0x84: {  	_ =	shalt  }
0x85: {  	_ =	shalt  }
0x86: {  	_ =	shalt  }
0x87: {  	_ =	shalt  }
.Lfunc_end0:
.L_simem_size_0:
called_computation_lowered:
.L_overlay_start_0:
0x88: {  	s2 =	sld [smem:$0x3FD9]  }
0x89: {  	s3 =	sld [smem:$0x3FFE];
	_ =	sdelay $0x1  }
0x8a: {  	s1 =	srdreg.scid  }
0x8b: {  	s0 =	sand.u32 $0x1, s1  }
0x8c: {  	s16 =	sshll.u32 s0, $0xA;
	s2 =	sadd.s32 s3, s2  }
0x8d: {  	s2 =	sadd.s32 s2, s16  }
0x8e: {  	[smem:$0x3FC2] =	sst s2  }
0x8f: {  	_ = 	snop  }
0x90: {  	(tm) =	ssettm $0x1  }
0x91: {  	s17 =	sld [smem:$0x3FFB];
	_ =	sdelay $0x3  }
0x92: {  	_ =	strace s17  }
0x93: {  	s2 =	sld [smem:$0x3FFC];
	_ =	sdelay $0x3  }
0x94: {  	_ =	strace s2  }
0x95: {  	s2 =	sld [smem:$0x3FFD];
	_ =	sdelay $0x3  }
0x96: {  	_ =	strace s2  }
0x97: {  	_ =	strace $0x8FFFFFFF  }
0x98: {  	s18 =	sld [smem:$0x3FDB];
	_ =	sdelay $0x1  }
0x99: {  	s19 =	simm.s32 $_scs_section_size  }
0x9a: {  	s4 =	simm.s32 $_size__tile_overlayer_lowered;
	s5 =	simm.s32 $_tile_overlayer_lowered  }
0x9b: {  	s22 =	simm.s32 $0x1BFF;
	s21 =	sshll.u32 s5, $0x1;
	s2 =	sadd.s32 s19, s18  }
0x9c: {  	s6 =	simm.s32 $0x0;
	s20 =	sshll.u32 s4, $0x1;
	s4 =	sadd.s32 s21, s2  }
0x9d: {  	[timem:s6], [sflag:s22] =	dma.local [hbm:s4], s20  }
0x9e: {  	_ =	swait.ge [sflag:s22], s20  }
0x9f: {  	s3 =	ssub.s32 $0x0, s20;
	[sflag:s22] =	ssyncset.done $0x0  }
0xa0: {  	[sflag:s22] =	ssyncadd.s32 s3;
	_ =	sdelay $0x1  }
0xa1: {  	s23 =	simm.s32 $0x1B8B  }
0xa2: {  	_ =	swait.ge [sflag:s23], $0x1  }
0xa3: {  	[sflag:s23] =	ssyncset.done $0x0  }
0xa4: {  	s25 =	simm.s32 $0x1B8E;
	s24 =	sld [smem:$0x3FFE];
	[sflag:s23] =	ssyncadd.s32 $0xFFFFFFFF  }
0xa5: {  	s26 =	simm.s32 $execute0_lowered;
	[smem:$0x3FD2] =	sst s25  }
0xa6: {  	s4 =	sshll.u32 s26, $0x1;
	_ =	strace $0x80000046;
	[dreg:$0x1] =	wrdreg $0xFFFFFFFF  }
0xa7: {  	s28 =	simm.s32 $_size_execute0_lowered;
	s2 =	sadd.s32 s2, s4;
	[dreg:$0x0] =	wrdreg $0x0  }
0xa8: {  	s4 =	sshll.u32 s28, $0x1;
	[dreg:$0x2] =	wrdreg s2  }
0xa9: {  	[dreg:$0x3] =	wrdreg s4  }
0xaa: {  	[dreg:$0x4] =	wrdreg $0xC0  }
0xab: {  	_ =	task [dreg:s6], $0x5FFFF  }
0xac: {  	[dreg:$0x1] =	wrdreg $0xFFFFFFFF  }
0xad: {  	[dreg:$0x0] =	wrdreg $0x60  }
0xae: {  	[dreg:$0x2] =	wrdreg s24  }
0xaf: {  	[dreg:$0x3] =	wrdreg $0x68000  }
0xb0: {  	[dreg:$0x4] =	wrdreg $0x9  }
0xb1: {  	_ =	task.clear_ibuf [dreg:s6], $0x5FFFF;
	_ =	strace $0x90000046  }
0xb2: {  	s29 =	simm.s32 $0x9;
	_ =	strace $0x80000048  }
0xb3: {  	_ =	swait.ge [sflag:s29], $0x1  }
0xb4: {  	[sflag:s29] =	ssyncadd.s32 $0xFFFFFFFF  }
0xb5: {  	_ =	strace $0x90000048  }
0xb6: {  	_ =	sfence  }
0xb7: {  	s30 =	sld [smem:$0x0];
	_ =	sdelay $0x2  }
0xb8: {  	s31 =	sshll.u32 s1, $0xD;
	s1 =	sshrl.u32 s1, $0x2  }
0xb9: {  	s3 =	sand.u32 $0x4000, s31;
	s1 =	sadd.s32 s1, s30  }
0xba: {  	s0 =	sor.u32 s3, s0;
	s1 =	sshll.u32 s1, $0x11  }
0xbb: {  	s0 =	sor.u32 s1, s0  }
0xbc: {  	s0 =	sadd.s32 $0x8F2B, s0  }
0xbd: {  	[sflag:s0] =	ssyncadd.remote.s32 $0x1  }
0xbe: {  	_ =	sfence.sel $0xFFFF  }
0xbf: {  	[dreg:$0x0] =	wrdreg $0xFFFFFFFF;
	(pc) =	sbr.abs _section_cstart, $3  }
0xc0: {  	[dreg:$0x1] =	wrdreg $0xFFFFFFFF  }
0xc1: {  	_ =	task.clear_ibuf [dreg:s6], $0x2FFFF;
	_ =	strace $0x9FFFFFFF  }
0xc2: {  	(tm) =	ssettm $0x7FFFFFFF  }
0xc3: {  	_ =	shalt  }
tec
execute0_lowered:
.L_overlay_start_1:
0x0: {  	(tag) =	ssettag $0x1  }
0x1: {  	s6 =	rddreg [dreg:$0x0]  }
0x2: {  	s0 =	srdreg.scid;
	s2 =	rddreg [dreg:$0x1]  }
0x3: {  	s3 =	simm.s32 $0x0;
	s5 =	sand.u32 $0x1, s0;
	s0 =	stileid.u32  }
0x4: {  	s13 =	simm.s32 $0x80;
	s14 =	simm.s32 $0x1;
	s7 =	smul.u32 $0x14000, s0  }
0x5: {  	s15 =	simm.s32 $0x0;
	[smem:$0x7FF] =	sst s3;
	s8 =	smul.u32 $0x140000, s5  }
0x6: {  	s1 =	sshll.u32 s5, $0x4;
	s5 =	ssub.s32 $0x2, s5;
	s28 =	smul.u32 $0x50000, s0  }
0x7: {  	s31 =	sshll.u32 s0, $0x6;
	s1 =	sor.u32 s0, s1;
	s29 =	sshrl.u32 s5, $0x1  }
0x8: {  	s4 =	smul.u32 $0x500, s1;
	s1 =	rddreg [dreg:$0x2];
	_ =	strace $0x80000047  }
0x9: {  	s10 =	sshrl.u32 s7, $0x3;
	s7 =	sadd.s32 s7, s8;
	s11 =	ssub.s32 s5, s29  }
0xa: {  	s30 =	sshrl.u32 s28, $0x2;
	s7 =	sshrl.u32 s7, $0x3;
	s10 =	sadd.s32 s10, s6  }
0xb: {  	s12 =	sadd.s32 s30, s2;
	s8 =	smax.u32 s11, $0x1;
	s11 =	sor.u32 $0x1C02, s31  }
0xc: {  	s9 =	sadd.s32 s4, s6;
	s4 =	sadd.s32 $0x34600, s6;
	s7 =	sadd.s32 s7, s6  }
0xd: {  	s6 =	sadd.s32 $0xC600, s10;
	s10 =	simm.s32 $0x2800;
	s12 =	sshrl.u32 s12, $0x3  }
0xe: {  	s5 =	sadd.s32 $0x2600, s9;
	s7 =	sadd.s32 $0x34E00, s7;
	s9 =	simm.s32 $0x2  }
.LBB2_1:
0xf: {  	[tilespmem:s3], [sflag:$0x2] =	stream.linear.gather [hbm4b:s5+s3], $0x2800, $0x38;
	[tilespmem:$0x1A800] =	vst v63  }
0x10: {  	_ =	swait.ge [sflag:s9], $0x2800  }
0x11: {  	[sflag:s9] =	ssyncset.done $0x0  }
0x12: {  	[sflag:s9] =	ssyncadd.s32 $0xFFFFD800  }
0x13: {  	[tilespmem:s10], [sflag:$0x2] =	stream.linear.gather [hbm4b:s4+s3], $0x4000, $0x38;
	[tilespmem:$0x1A800] =	vst v63  }
0x14: {  	_ =	swait.ge [sflag:s9], $0x4000  }
0x15: {  	[sflag:s9] =	ssyncset.done $0x0  }
0x16: {  	[sflag:s9] =	ssyncadd.s32 $0xFFFFC000  }
0x17: {  	[spmem:s12], [sflag:s11] =	dma.local [hbm:s6], $0x2800  }
0x18: {  	_ =	swait.ge [sflag:s9], $0x2800  }
0x19: {  	[sflag:s9] =	ssyncset.done $0x0  }
0x1a: {  	[sflag:s9] =	ssyncadd.s32 $0xFFFFD800  }
0x1b: {  	s16 =	simm.s32 $0x0;
	[bflag:$0x0] =	sbarrier.arrive $0xFFFF  }
.LBB2_2:
0x1c: {  	p0 =	sne.s32 s16, $0x9E00  }
.Ltmp0:
0x1d: {  	_ = 	snop;
	(pc) =	sbr.rel @p0 .LBB2_2-.Ltmp0, $3  }
0x1e: {  	_ =	sdelay $0x1  }
0x1f: {  	s17 =	sshra.s32 s16, $0x2;
	s16 =	sadd.s32 $0x200, s16  }
0x20: {  	[spmem:s2] =	stream.indirect.scatter.add.f32 [tilespmem:s10], [sflag:$0x1], $0x80, s17, s13, $0xb8;
	[tilespmem:$0x1A800] =	vst v63  }
0x21: {  	_ =	swait.ge [sflag:s14], $0x4000  }
0x22: {  	s16 =	simm.s32 $0x4F;
	[sflag:s14] =	ssyncset.done $0x0  }
.LBB2_4:
0x23: {  	p0 =	sne.s32 s16, $0x1;
	s16 =	sadd.s32 $0xFFFFFFFF, s16;
	[sflag:s14] =	ssyncadd.s32 $0xFFFFC000  }
.Ltmp1:
0x24: {  	(pc) =	sbr.rel @p0 .LBB2_4-.Ltmp1, $3  }
0x25: {  	_ =	sdelay $0x1  }
0x26: {  	_ =	swait.ge [sflag:s14], $0x4000  }
0x27: {  	[sflag:s14] =	ssyncset.done $0x0  }
0x28: {  	s15 =	sadd.s32 $0x1, s15  }
0x29: {  	[sflag:s14] =	ssyncadd.s32 $0xFFFFC000;
	p0 =	sne.s32 s15, s8  }
.Ltmp2:
0x2a: {  	[bflag:$0x0] =	sbarrier.arrive $0xFFFF;
	(pc) =	sbr.rel @p0 .LBB2_1-.Ltmp2, $4  }
0x2b: {  	[hbm:s7], [sflag:s11] =	dma.local [spmem:s12], $0x2800  }
0x2c: {  	_ =	swait.ge [sflag:s9], $0x2800  }
0x2d: {  	[sflag:s9] =	ssyncset.done $0x0  }
0x2e: {  	[sflag:s9] =	ssyncadd.s32 $0xFFFFD800  }
0x2f: {  	_ =	sfence.sel $0x180000  }
0x30: {  	[bflag:$0x0] =	sbarrier.arrive $0xFFFF  }
0x31: {  	p0 =	sne.s32 s0, $0x0;
	_ =	strace $0x90000047  }
0x32: {  	s0 =	sadd.s32 @!p0 $0x100000, s1;
	[bflag:$0x2] =	sbarrier.arrive $0xFFFF  }
0x33: {  	[sflag:s0] =	ssyncadd.tile.s32 @!p0 $0x1;
	_ =	shalt  }
.Lfunc_end2:
_tile_overlayer_lowered:
.L_overlay_start_2:
0x34: {  	(tag) =	ssettag $0x2  }
0x35: {  	s0 =	rddreg [dreg:$0x0];
	s2 =	stileid.u32  }
0x36: {  	s1 =	rddreg [dreg:$0x1];
	p0 =	sne.s32 s2, $0x0  }
0x37: {  	s3 =	rddreg [dreg:$0x2];
	[bflag:$0x3] =	sbarrier.arrive $0xFFFF;
	s2 =	simm.s32 @!p0 $0x1C02  }
0x38: {  	[timem:s3], [sflag:s2] =	dma.local @!p0 [hbm:s0], s1  }
0x39: {  	s0 =	simm.s32 @!p0 $0x2  }
0x3a: {  	_ =	swait.ge @!p0 [sflag:s0], s1  }
0x3b: {  	s1 =	ssub.s32 @!p0 $0x0, s1;
	[sflag:s0] =	ssyncset.done @!p0 $0x0  }
0x3c: {  	[sflag:s0] =	ssyncadd.s32 @!p0 s1  }
0x3d: {  	[bflag:$0x3] =	sbarrier.arrive $0xFFFF  }
0x3e: {  	_ =	shalt  }

</sc_bundles>
